<compile_context>
chip_gen: v7x
topology: tpu7x:2x2x1
jax: 0.10.2.dev20260603
libtpu: 0.0.44.dev20260713+nightly
codegen_flags: <defaults>
</compile_context>

<pallas_src>
import functools

import jax
import jax.numpy as jnp
from jax import lax
from jax.experimental import pallas as pl
from jax.experimental.pallas import tpu as pltpu
from jax.experimental.pallas import tpu_sc as plsc

N = 10000
E = 320000
G = 128
NC = 2
NS = 16
NW = NC * NS
EPT = E // NW
CH = 125
NCHUNK = EPT // CH
RPT = 632
N_PAD = RPT * NS


def _make_sc_agg(D):
  mesh = plsc.VectorSubcoreMesh(core_axis_name="c", subcore_axis_name="s")

  @functools.partial(
      pl.kernel,
      out_type=jax.ShapeDtypeStruct((NC, N_PAD, D), jnp.float32),
      mesh=mesh,
      compiler_params=pltpu.CompilerParams(use_tc_tiling_on_sc=False),
      scratch_types=[
          pltpu.VMEM((NCHUNK, CH), jnp.int32),
          pltpu.VMEM((NCHUNK, CH), jnp.int32),
          pltpu.VMEM((CH, D), jnp.float32),
          pltpu.SemaphoreType.DMA,
          pltpu.VMEM_SHARED((N_PAD, D), jnp.float32),
      ],
  )
  def k(h_hbm, src_hbm, dst_hbm, zero_hbm, out_hbm, src_v, dst_v, rows_v,
        sem, acc):
    cid = lax.axis_index("c")
    sid = lax.axis_index("s")
    tid = cid * NS + sid

    r0 = sid * RPT
    pltpu.sync_copy(zero_hbm, acc.at[pl.ds(r0, RPT)])
    pltpu.sync_copy(src_hbm.at[tid], src_v)
    pltpu.sync_copy(dst_hbm.at[tid], dst_v)
    plsc.subcore_barrier()

    def body(j, carry):
      pltpu.async_copy(h_hbm.at[src_v.at[j]], rows_v, sem).wait()
      pltpu.sync_copy(rows_v, acc.at[dst_v.at[j]], add=True)
      return carry

    lax.fori_loop(0, NCHUNK, body, 0)
    plsc.subcore_barrier()
    pltpu.sync_copy(acc.at[pl.ds(r0, RPT)], out_hbm.at[cid, pl.ds(r0, RPT)])

  return k


_sc_agg = {D: _make_sc_agg(D) for D in (128, 32, 64)}


def _gin_mlp_body(x_ref, p_ref, w1, b1, w2, b2, g, bt, o_ref):
  h = x_ref[...] + p_ref[0, :N] + p_ref[1, :N]
  h = jnp.maximum(
      jnp.dot(h, w1[...], preferred_element_type=jnp.float32) + b1[...], 0.0)
  h = jnp.dot(h, w2[...], preferred_element_type=jnp.float32) + b2[...]
  mu = jnp.mean(h, axis=0, keepdims=True)
  var = jnp.mean((h - mu) ** 2, axis=0, keepdims=True)
  h = (h - mu) * lax.rsqrt(var + 1e-5) * g[...] + bt[...]
  o_ref[...] = jnp.maximum(h, 0.0)


def _gin_mlp(x, p, w1, b1, w2, b2, g, bt):
  dout = w2.shape[1]
  return pl.pallas_call(
      _gin_mlp_body,
      out_shape=jax.ShapeDtypeStruct((N, dout), jnp.float32),
  )(x, p, w1, b1, w2, b2, g, bt)


def _final_body(x_ref, p_ref, w1, b1, w2, b2, g, bt, batch_ref,
                mw1, mb1, mw2, mb2, o_ref):
  h = x_ref[...] + p_ref[0, :N] + p_ref[1, :N]
  h = jnp.maximum(
      jnp.dot(h, w1[...], preferred_element_type=jnp.float32) + b1[...], 0.0)
  h = jnp.dot(h, w2[...], preferred_element_type=jnp.float32) + b2[...]
  mu = jnp.mean(h, axis=0, keepdims=True)
  var = jnp.mean((h - mu) ** 2, axis=0, keepdims=True)
  h = (h - mu) * lax.rsqrt(var + 1e-5) * g[...] + bt[...]
  h = jnp.maximum(h, 0.0)
  seg = (batch_ref[...] ==
         lax.broadcasted_iota(jnp.int32, (G, N), 0)).astype(jnp.float32)
  pooled = jnp.dot(seg, h, preferred_element_type=jnp.float32)
  hm = jnp.maximum(
      jnp.dot(pooled, mw1[...], preferred_element_type=jnp.float32)
      + mb1[...], 0.0)
  o_ref[...] = jnp.dot(hm, mw2[...], preferred_element_type=jnp.float32) \
      + mb2[...]


def _final(x, p, w1, b1, w2, b2, g, bt, batch2d, mw1, mb1, mw2, mb2):
  return pl.pallas_call(
      _final_body,
      out_shape=jax.ShapeDtypeStruct((G, 1), jnp.float32),
  )(x, p, w1, b1, w2, b2, g, bt, batch2d, mw1, mb1, mw2, mb2)


def kernel(x, edge_index, batch, params):
  p = params
  src3 = edge_index[0].reshape(NW, NCHUNK, CH)
  dst3 = edge_index[1].reshape(NW, NCHUNK, CH)
  batch2d = batch.reshape(1, N)
  row = lambda v: v.reshape(1, -1)

  z128 = jnp.zeros((RPT, 128), jnp.float32)
  z32 = jnp.zeros((RPT, 32), jnp.float32)
  z64 = jnp.zeros((RPT, 64), jnp.float32)

  agg1 = _sc_agg[128](x, src3, dst3, z128)
  h1 = _gin_mlp(x, agg1, p['c1_W1'], row(p['c1_b1']), p['c1_W2'],
                row(p['c1_b2']), row(p['c1_g']), row(p['c1_bt']))
  agg2 = _sc_agg[32](h1, src3, dst3, z32)
  h2 = _gin_mlp(h1, agg2, p['c2_W1'], row(p['c2_b1']), p['c2_W2'],
                row(p['c2_b2']), row(p['c2_g']), row(p['c2_bt']))
  agg3 = _sc_agg[64](h2, src3, dst3, z64)
  out = _final(h2, agg3, p['c3_W1'], row(p['c3_b1']), p['c3_W2'],
               row(p['c3_b2']), row(p['c3_g']), row(p['c3_bt']),
               batch2d, p['m_W1'], row(p['m_b1']), p['m_W2'], row(p['m_b2']))
  return out.squeeze(1)

# --- scband reference (transcript-rebuilt; emitter-appended) ---
"""Pipeline reference for scband-my-gin-15187004359022 (READ-ONLY COPY).

The authoritative reference and input builder live on the scoring server;
editing this copy changes nothing except your own understanding.
"""

import jax, jax.numpy as jnp
import numpy as np

N = 10000
E = 320000
F = 128
G = 128

def _lin(k, i, o):
    return jax.random.normal(k, (i, o), dtype=jnp.float32) * (1.0 / np.sqrt(i))

def setup_inputs(seed: int = 0):
    key = jax.random.key(seed)
    ks = jax.random.split(key, 16)
    x = jax.random.normal(ks[0], (N, F), dtype=jnp.float32)
    edge_index = jax.random.randint(ks[1], (2, E), 0, N, dtype=jnp.int32)
    batch = jnp.sort(jax.random.randint(ks[2], (N,), 0, G, dtype=jnp.int32))
    params = {
        'c1_W1': _lin(ks[3], 128, 32), 'c1_b1': jnp.zeros((32,), jnp.float32),
        'c1_W2': _lin(ks[4], 32, 32), 'c1_b2': jnp.zeros((32,), jnp.float32),
        'c1_g': jnp.ones((32,), jnp.float32), 'c1_bt': jnp.zeros((32,), jnp.float32),
        'c2_W1': _lin(ks[5], 32, 64), 'c2_b1': jnp.zeros((64,), jnp.float32),
        'c2_W2': _lin(ks[6], 64, 64), 'c2_b2': jnp.zeros((64,), jnp.float32),
        'c2_g': jnp.ones((64,), jnp.float32), 'c2_bt': jnp.zeros((64,), jnp.float32),
        'c3_W1': _lin(ks[7], 64, 128), 'c3_b1': jnp.zeros((128,), jnp.float32),
        'c3_W2': _lin(ks[8], 128, 128), 'c3_b2': jnp.zeros((128,), jnp.float32),
        'c3_g': jnp.ones((128,), jnp.float32), 'c3_bt': jnp.zeros((128,), jnp.float32),
        'm_W1': _lin(ks[9], 128, 64), 'm_b1': jnp.zeros((64,), jnp.float32),
        'm_W2': _lin(ks[10], 64, 1), 'm_b2': jnp.zeros((1,), jnp.float32),
    }
    return {'x': x, 'edge_index': edge_index, 'batch': batch, 'params': params}

def _gin_layer(x, src, dst, p, pre):
    # GINConv with eps=0: nn((1+eps)*x + sum_{j->i} x_j)
    agg = jnp.zeros_like(x).at[dst].add(x[src])
    h = x + agg
    h = jnp.maximum(jnp.dot(h, p[pre + 'W1']) + p[pre + 'b1'], 0.0)
    h = jnp.dot(h, p[pre + 'W2']) + p[pre + 'b2']
    # BatchNorm1d (training-mode batch statistics over nodes)
    mu = jnp.mean(h, axis=0)
    var = jnp.var(h, axis=0)
    h = (h - mu) / jnp.sqrt(var + 1e-5) * p[pre + 'g'] + p[pre + 'bt']
    return jnp.maximum(h, 0.0)

def reference(x, edge_index, batch, params):
    src = edge_index[0]
    dst = edge_index[1]
    h = _gin_layer(x, src, dst, params, 'c1_')
    h = _gin_layer(h, src, dst, params, 'c2_')
    h = _gin_layer(h, src, dst, params, 'c3_')
    pooled = jax.ops.segment_sum(h, batch, num_segments=G)
    h = jnp.maximum(jnp.dot(pooled, params['m_W1']) + params['m_b1'], 0.0)
    out = (jnp.dot(h, params['m_W2']) + params['m_b2']).squeeze(1)
    return out

if __name__ == "__main__":
    import jax
    _d = setup_inputs()
    print(jax.jit(kernel)(*tuple(_d.values())))

</pallas_src>

<mosaic_0001>
#map = affine_map<(d0, d1) -> (0, 0)>
#map1 = affine_map<(d0, d1) -> (0, 0, 0)>
module attributes {stable_mosaic.version = 14 : i64} {
  func.func @k(%arg0: i32, %arg1: i32, %arg2: memref<10000x32xf32, #tpu.memory_space<hbm>>, %arg3: memref<32x80x125xi32, #tpu.memory_space<hbm>>, %arg4: memref<32x80x125xi32, #tpu.memory_space<hbm>>, %arg5: memref<632x32xf32, #tpu.memory_space<hbm>>, %arg6: memref<2x10112x32xf32, #tpu.memory_space<hbm>>, %arg7: memref<80x125xi32, #tpu.memory_space<vmem>>, %arg8: memref<80x125xi32, #tpu.memory_space<vmem>>, %arg9: memref<125x32xf32, #tpu.memory_space<vmem>>, %arg10: memref<!tpu.dma_semaphore, #tpu.memory_space<semaphore_mem>>, %arg11: memref<10112x32xf32, #tpu.memory_space<vmem_shared>>) attributes {dimension_semantics = [#tpu.dimension_semantics<core_parallel>, #tpu.dimension_semantics<subcore_parallel>], iteration_bounds = array<i64: 2, 16>, scalar_prefetch = 0 : i64, scratch_operands = 5 : i64, tpu.core_type = #tpu.core_type<sc_vector_subcore>, window_params = [{transform_indices = #map}, {transform_indices = #map1}, {transform_indices = #map1}, {transform_indices = #map}, {transform_indices = #map1}]} {
    %mul3A = arith.constant 16 : i32
    %mul3A_0 = arith.muli %arg0, %mul3A : i32
    %add3A = arith.addi %mul3A_0, %arg1 : i32
    %mul3A_1 = arith.constant 632 : i32
    %mul3A_2 = arith.muli %arg1, %mul3A_1 : i32
    "tpu.region"() ({
      %run_scoped3A = tpu.sem_alloc : memref<!tpu.dma_semaphore, #tpu.memory_space<semaphore_mem>>
      %dma_start3A = arith.constant 0 : i32
      %dma_start3A_9 = tpu.memref_slice %arg11[%mul3A_2, %dma_start3A] : memref<10112x32xf32, #tpu.memory_space<vmem_shared>> -> memref<632x32xf32, #tpu.memory_space<vmem_shared>>
      tpu.enqueue_dma source(%arg5 : memref<632x32xf32, #tpu.memory_space<hbm>>) target(%dma_start3A_9 : memref<632x32xf32, #tpu.memory_space<vmem_shared>>) target_semaphore(%run_scoped3A : memref<!tpu.dma_semaphore, #tpu.memory_space<semaphore_mem>>)
      %dma_wait3A = arith.constant 0 : i32
      %dma_wait3A_10 = tpu.memref_slice %arg11[%mul3A_2, %dma_wait3A] : memref<10112x32xf32, #tpu.memory_space<vmem_shared>> -> memref<632x32xf32, #tpu.memory_space<vmem_shared>>
      tpu.wait_dma2 semaphore(%run_scoped3A : memref<!tpu.dma_semaphore, #tpu.memory_space<semaphore_mem>>) src(%arg5 : memref<632x32xf32, #tpu.memory_space<hbm>>) dst(%dma_wait3A_10 : memref<632x32xf32, #tpu.memory_space<vmem_shared>>)
      tpu.yield
    }) : () -> ()
    "tpu.region"() ({
      %run_scoped3A = tpu.sem_alloc : memref<!tpu.dma_semaphore, #tpu.memory_space<semaphore_mem>>
      %dma_start3A = arith.constant 0 : i32
      %dma_start3A_9 = arith.constant 0 : i32
      %dma_start3A_10 = tpu.memref_slice %arg3[%add3A, %dma_start3A, %dma_start3A_9] : memref<32x80x125xi32, #tpu.memory_space<hbm>> -> memref<1x80x125xi32, #tpu.memory_space<hbm>>
      %dma_start3A_11 = tpu.memref_squeeze %dma_start3A_10 : memref<1x80x125xi32, #tpu.memory_space<hbm>> -> memref<80x125xi32, #tpu.memory_space<hbm>>
      %dma_start3A_12 = arith.constant 0 : i32
      %dma_start3A_13 = arith.constant 0 : i32
      %dma_start3A_14 = tpu.memref_slice %arg3[%add3A, %dma_start3A_12, %dma_start3A_13] : memref<32x80x125xi32, #tpu.memory_space<hbm>> -> memref<1x80x125xi32, #tpu.memory_space<hbm>>
      %dma_start3A_15 = tpu.memref_squeeze %dma_start3A_14 : memref<1x80x125xi32, #tpu.memory_space<hbm>> -> memref<80x125xi32, #tpu.memory_space<hbm>>
      tpu.enqueue_dma source(%dma_start3A_15 : memref<80x125xi32, #tpu.memory_space<hbm>>) target(%arg7 : memref<80x125xi32, #tpu.memory_space<vmem>>) target_semaphore(%run_scoped3A : memref<!tpu.dma_semaphore, #tpu.memory_space<semaphore_mem>>)
      %dma_wait3A = arith.constant 0 : i32
      %dma_wait3A_16 = arith.constant 0 : i32
      %dma_wait3A_17 = tpu.memref_slice %arg3[%add3A, %dma_wait3A, %dma_wait3A_16] : memref<32x80x125xi32, #tpu.memory_space<hbm>> -> memref<1x80x125xi32, #tpu.memory_space<hbm>>
      %dma_wait3A_18 = tpu.memref_squeeze %dma_wait3A_17 : memref<1x80x125xi32, #tpu.memory_space<hbm>> -> memref<80x125xi32, #tpu.memory_space<hbm>>
      %dma_wait3A_19 = arith.constant 0 : i32
      %dma_wait3A_20 = arith.constant 0 : i32
      %dma_wait3A_21 = tpu.memref_slice %arg3[%add3A, %dma_wait3A_19, %dma_wait3A_20] : memref<32x80x125xi32, #tpu.memory_space<hbm>> -> memref<1x80x125xi32, #tpu.memory_space<hbm>>
      %dma_wait3A_22 = tpu.memref_squeeze %dma_wait3A_21 : memref<1x80x125xi32, #tpu.memory_space<hbm>> -> memref<80x125xi32, #tpu.memory_space<hbm>>
      tpu.wait_dma2 semaphore(%run_scoped3A : memref<!tpu.dma_semaphore, #tpu.memory_space<semaphore_mem>>) src(%dma_wait3A_22 : memref<80x125xi32, #tpu.memory_space<hbm>>) dst(%arg7 : memref<80x125xi32, #tpu.memory_space<vmem>>)
      tpu.yield
    }) : () -> ()
    "tpu.region"() ({
      %run_scoped3A = tpu.sem_alloc : memref<!tpu.dma_semaphore, #tpu.memory_space<semaphore_mem>>
      %dma_start3A = arith.constant 0 : i32
      %dma_start3A_9 = arith.constant 0 : i32
      %dma_start3A_10 = tpu.memref_slice %arg4[%add3A, %dma_start3A, %dma_start3A_9] : memref<32x80x125xi32, #tpu.memory_space<hbm>> -> memref<1x80x125xi32, #tpu.memory_space<hbm>>
      %dma_start3A_11 = tpu.memref_squeeze %dma_start3A_10 : memref<1x80x125xi32, #tpu.memory_space<hbm>> -> memref<80x125xi32, #tpu.memory_space<hbm>>
      %dma_start3A_12 = arith.constant 0 : i32
      %dma_start3A_13 = arith.constant 0 : i32
      %dma_start3A_14 = tpu.memref_slice %arg4[%add3A, %dma_start3A_12, %dma_start3A_13] : memref<32x80x125xi32, #tpu.memory_space<hbm>> -> memref<1x80x125xi32, #tpu.memory_space<hbm>>
      %dma_start3A_15 = tpu.memref_squeeze %dma_start3A_14 : memref<1x80x125xi32, #tpu.memory_space<hbm>> -> memref<80x125xi32, #tpu.memory_space<hbm>>
      tpu.enqueue_dma source(%dma_start3A_15 : memref<80x125xi32, #tpu.memory_space<hbm>>) target(%arg8 : memref<80x125xi32, #tpu.memory_space<vmem>>) target_semaphore(%run_scoped3A : memref<!tpu.dma_semaphore, #tpu.memory_space<semaphore_mem>>)
      %dma_wait3A = arith.constant 0 : i32
      %dma_wait3A_16 = arith.constant 0 : i32
      %dma_wait3A_17 = tpu.memref_slice %arg4[%add3A, %dma_wait3A, %dma_wait3A_16] : memref<32x80x125xi32, #tpu.memory_space<hbm>> -> memref<1x80x125xi32, #tpu.memory_space<hbm>>
      %dma_wait3A_18 = tpu.memref_squeeze %dma_wait3A_17 : memref<1x80x125xi32, #tpu.memory_space<hbm>> -> memref<80x125xi32, #tpu.memory_space<hbm>>
      %dma_wait3A_19 = arith.constant 0 : i32
      %dma_wait3A_20 = arith.constant 0 : i32
      %dma_wait3A_21 = tpu.memref_slice %arg4[%add3A, %dma_wait3A_19, %dma_wait3A_20] : memref<32x80x125xi32, #tpu.memory_space<hbm>> -> memref<1x80x125xi32, #tpu.memory_space<hbm>>
      %dma_wait3A_22 = tpu.memref_squeeze %dma_wait3A_21 : memref<1x80x125xi32, #tpu.memory_space<hbm>> -> memref<80x125xi32, #tpu.memory_space<hbm>>
      tpu.wait_dma2 semaphore(%run_scoped3A : memref<!tpu.dma_semaphore, #tpu.memory_space<semaphore_mem>>) src(%dma_wait3A_22 : memref<80x125xi32, #tpu.memory_space<hbm>>) dst(%arg8 : memref<80x125xi32, #tpu.memory_space<vmem>>)
      tpu.yield
    }) : () -> ()
    %barrier3A = arith.constant 0 : index
    tpu.barrier barrier_id(%barrier3A)
    %scan3A = arith.constant 0 : i32
    %scan3A_3 = arith.constant 0 : i32
    %scan3A_4 = arith.constant 80 : i32
    %scan3A_5 = arith.addi %scan3A_3, %scan3A_4 : i32
    %scan3A_6 = arith.constant 1 : i32
    scf.for %scan3A_9 = %scan3A_3 to %scan3A_5 step %scan3A_6  : i32 {
      %dma_start3A = arith.constant 0 : i32
      %dma_start3A_10 = tpu.memref_slice %arg7[%scan3A_9, %dma_start3A] : memref<80x125xi32, #tpu.memory_space<vmem>> -> memref<1x125xi32, #tpu.memory_space<vmem>>
      %dma_start3A_11 = tpu.memref_squeeze %dma_start3A_10 : memref<1x125xi32, #tpu.memory_space<vmem>> -> memref<125xi32, #tpu.memory_space<vmem>>
      %dma_start3A_12 = arith.constant 0 : i32
      %dma_start3A_13 = arith.constant 0 : i32
      %dma_start3A_14 = tpu.memref_slice %arg2[%dma_start3A_12, %dma_start3A_13] : memref<10000x32xf32, #tpu.memory_space<hbm>> -> memref<10000x32xf32, #tpu.memory_space<hbm>>
      tpu.enqueue_indirect_dma source(%dma_start3A_14 : memref<10000x32xf32, #tpu.memory_space<hbm>>) target(%arg9 : memref<125x32xf32, #tpu.memory_space<vmem>>) offsets(%dma_start3A_11 : memref<125xi32, #tpu.memory_space<vmem>>) semaphore(%arg10 : memref<!tpu.dma_semaphore, #tpu.memory_space<semaphore_mem>>)
      %dma_wait3A = arith.constant 0 : i32
      %dma_wait3A_15 = tpu.memref_slice %arg7[%scan3A_9, %dma_wait3A] : memref<80x125xi32, #tpu.memory_space<vmem>> -> memref<1x125xi32, #tpu.memory_space<vmem>>
      %dma_wait3A_16 = tpu.memref_squeeze %dma_wait3A_15 : memref<1x125xi32, #tpu.memory_space<vmem>> -> memref<125xi32, #tpu.memory_space<vmem>>
      %dma_wait3A_17 = arith.constant 0 : i32
      %dma_wait3A_18 = arith.constant 0 : i32
      %dma_wait3A_19 = tpu.memref_slice %arg2[%dma_wait3A_17, %dma_wait3A_18] : memref<10000x32xf32, #tpu.memory_space<hbm>> -> memref<10000x32xf32, #tpu.memory_space<hbm>>
      tpu.wait_indirect_dma semaphore(%arg10 : memref<!tpu.dma_semaphore, #tpu.memory_space<semaphore_mem>>) src(%dma_wait3A_19 : memref<10000x32xf32, #tpu.memory_space<hbm>>) dst(%arg9 : memref<125x32xf32, #tpu.memory_space<vmem>>)
      "tpu.region"() ({
        %run_scoped3A = tpu.sem_alloc : memref<!tpu.dma_semaphore, #tpu.memory_space<semaphore_mem>>
        %dma_start3A_20 = arith.constant 0 : i32
        %dma_start3A_21 = tpu.memref_slice %arg8[%scan3A_9, %dma_start3A_20] : memref<80x125xi32, #tpu.memory_space<vmem>> -> memref<1x125xi32, #tpu.memory_space<vmem>>
        %dma_start3A_22 = tpu.memref_squeeze %dma_start3A_21 : memref<1x125xi32, #tpu.memory_space<vmem>> -> memref<125xi32, #tpu.memory_space<vmem>>
        %dma_start3A_23 = arith.constant 0 : i32
        %dma_start3A_24 = arith.constant 0 : i32
        %dma_start3A_25 = tpu.memref_slice %arg11[%dma_start3A_23, %dma_start3A_24] : memref<10112x32xf32, #tpu.memory_space<vmem_shared>> -> memref<10112x32xf32, #tpu.memory_space<vmem_shared>>
        tpu.enqueue_indirect_dma source(%arg9 : memref<125x32xf32, #tpu.memory_space<vmem>>) target(%dma_start3A_25 : memref<10112x32xf32, #tpu.memory_space<vmem_shared>>) offsets(%dma_start3A_22 : memref<125xi32, #tpu.memory_space<vmem>>) semaphore(%run_scoped3A : memref<!tpu.dma_semaphore, #tpu.memory_space<semaphore_mem>>) {add = true}
        %dma_wait3A_26 = arith.constant 0 : i32
        %dma_wait3A_27 = tpu.memref_slice %arg8[%scan3A_9, %dma_wait3A_26] : memref<80x125xi32, #tpu.memory_space<vmem>> -> memref<1x125xi32, #tpu.memory_space<vmem>>
        %dma_wait3A_28 = tpu.memref_squeeze %dma_wait3A_27 : memref<1x125xi32, #tpu.memory_space<vmem>> -> memref<125xi32, #tpu.memory_space<vmem>>
        %dma_wait3A_29 = arith.constant 0 : i32
        %dma_wait3A_30 = arith.constant 0 : i32
        %dma_wait3A_31 = tpu.memref_slice %arg11[%dma_wait3A_29, %dma_wait3A_30] : memref<10112x32xf32, #tpu.memory_space<vmem_shared>> -> memref<10112x32xf32, #tpu.memory_space<vmem_shared>>
        tpu.wait_indirect_dma semaphore(%run_scoped3A : memref<!tpu.dma_semaphore, #tpu.memory_space<semaphore_mem>>) src(%arg9 : memref<125x32xf32, #tpu.memory_space<vmem>>) dst(%dma_wait3A_31 : memref<10112x32xf32, #tpu.memory_space<vmem_shared>>)
        tpu.yield
      }) : () -> ()
    }
    %scan3A_7 = arith.constant 80 : i32
    %barrier3A_8 = arith.constant 0 : index
    tpu.barrier barrier_id(%barrier3A_8)
    "tpu.region"() ({
      %run_scoped3A = tpu.sem_alloc : memref<!tpu.dma_semaphore, #tpu.memory_space<semaphore_mem>>
      %dma_start3A = arith.constant 0 : i32
      %dma_start3A_9 = tpu.memref_slice %arg6[%arg0, %mul3A_2, %dma_start3A] : memref<2x10112x32xf32, #tpu.memory_space<hbm>> -> memref<1x632x32xf32, #tpu.memory_space<hbm>>
      %dma_start3A_10 = tpu.memref_squeeze %dma_start3A_9 : memref<1x632x32xf32, #tpu.memory_space<hbm>> -> memref<632x32xf32, #tpu.memory_space<hbm>>
      %dma_start3A_11 = arith.constant 0 : i32
      %dma_start3A_12 = tpu.memref_slice %arg11[%mul3A_2, %dma_start3A_11] : memref<10112x32xf32, #tpu.memory_space<vmem_shared>> -> memref<632x32xf32, #tpu.memory_space<vmem_shared>>
      tpu.enqueue_dma source(%dma_start3A_12 : memref<632x32xf32, #tpu.memory_space<vmem_shared>>) target(%dma_start3A_10 : memref<632x32xf32, #tpu.memory_space<hbm>>) target_semaphore(%run_scoped3A : memref<!tpu.dma_semaphore, #tpu.memory_space<semaphore_mem>>)
      %dma_wait3A = arith.constant 0 : i32
      %dma_wait3A_13 = tpu.memref_slice %arg6[%arg0, %mul3A_2, %dma_wait3A] : memref<2x10112x32xf32, #tpu.memory_space<hbm>> -> memref<1x632x32xf32, #tpu.memory_space<hbm>>
      %dma_wait3A_14 = tpu.memref_squeeze %dma_wait3A_13 : memref<1x632x32xf32, #tpu.memory_space<hbm>> -> memref<632x32xf32, #tpu.memory_space<hbm>>
      %dma_wait3A_15 = arith.constant 0 : i32
      %dma_wait3A_16 = tpu.memref_slice %arg11[%mul3A_2, %dma_wait3A_15] : memref<10112x32xf32, #tpu.memory_space<vmem_shared>> -> memref<632x32xf32, #tpu.memory_space<vmem_shared>>
      tpu.wait_dma2 semaphore(%run_scoped3A : memref<!tpu.dma_semaphore, #tpu.memory_space<semaphore_mem>>) src(%dma_wait3A_16 : memref<632x32xf32, #tpu.memory_space<vmem_shared>>) dst(%dma_wait3A_14 : memref<632x32xf32, #tpu.memory_space<hbm>>)
      tpu.yield
    }) : () -> ()
    return
  }
}

#map = affine_map<(d0, d1) -> (0, 0)>
#map1 = affine_map<(d0, d1) -> (0, 0, 0)>
module attributes {stable_mosaic.version = 14 : i64} {
  func.func @k(%arg0: i32, %arg1: i32, %arg2: memref<10000x64xf32, #tpu.memory_space<hbm>>, %arg3: memref<32x80x125xi32, #tpu.memory_space<hbm>>, %arg4: memref<32x80x125xi32, #tpu.memory_space<hbm>>, %arg5: memref<632x64xf32, #tpu.memory_space<hbm>>, %arg6: memref<2x10112x64xf32, #tpu.memory_space<hbm>>, %arg7: memref<80x125xi32, #tpu.memory_space<vmem>>, %arg8: memref<80x125xi32, #tpu.memory_space<vmem>>, %arg9: memref<125x64xf32, #tpu.memory_space<vmem>>, %arg10: memref<!tpu.dma_semaphore, #tpu.memory_space<semaphore_mem>>, %arg11: memref<10112x64xf32, #tpu.memory_space<vmem_shared>>) attributes {dimension_semantics = [#tpu.dimension_semantics<core_parallel>, #tpu.dimension_semantics<subcore_parallel>], iteration_bounds = array<i64: 2, 16>, scalar_prefetch = 0 : i64, scratch_operands = 5 : i64, tpu.core_type = #tpu.core_type<sc_vector_subcore>, window_params = [{transform_indices = #map}, {transform_indices = #map1}, {transform_indices = #map1}, {transform_indices = #map}, {transform_indices = #map1}]} {
    %mul3A = arith.constant 16 : i32
    %mul3A_0 = arith.muli %arg0, %mul3A : i32
    %add3A = arith.addi %mul3A_0, %arg1 : i32
    %mul3A_1 = arith.constant 632 : i32
    %mul3A_2 = arith.muli %arg1, %mul3A_1 : i32
    "tpu.region"() ({
      %run_scoped3A = tpu.sem_alloc : memref<!tpu.dma_semaphore, #tpu.memory_space<semaphore_mem>>
      %dma_start3A = arith.constant 0 : i32
      %dma_start3A_9 = tpu.memref_slice %arg11[%mul3A_2, %dma_start3A] : memref<10112x64xf32, #tpu.memory_space<vmem_shared>> -> memref<632x64xf32, #tpu.memory_space<vmem_shared>>
      tpu.enqueue_dma source(%arg5 : memref<632x64xf32, #tpu.memory_space<hbm>>) target(%dma_start3A_9 : memref<632x64xf32, #tpu.memory_space<vmem_shared>>) target_semaphore(%run_scoped3A : memref<!tpu.dma_semaphore, #tpu.memory_space<semaphore_mem>>)
      %dma_wait3A = arith.constant 0 : i32
      %dma_wait3A_10 = tpu.memref_slice %arg11[%mul3A_2, %dma_wait3A] : memref<10112x64xf32, #tpu.memory_space<vmem_shared>> -> memref<632x64xf32, #tpu.memory_space<vmem_shared>>
      tpu.wait_dma2 semaphore(%run_scoped3A : memref<!tpu.dma_semaphore, #tpu.memory_space<semaphore_mem>>) src(%arg5 : memref<632x64xf32, #tpu.memory_space<hbm>>) dst(%dma_wait3A_10 : memref<632x64xf32, #tpu.memory_space<vmem_shared>>)
      tpu.yield
    }) : () -> ()
    "tpu.region"() ({
      %run_scoped3A = tpu.sem_alloc : memref<!tpu.dma_semaphore, #tpu.memory_space<semaphore_mem>>
      %dma_start3A = arith.constant 0 : i32
      %dma_start3A_9 = arith.constant 0 : i32
      %dma_start3A_10 = tpu.memref_slice %arg3[%add3A, %dma_start3A, %dma_start3A_9] : memref<32x80x125xi32, #tpu.memory_space<hbm>> -> memref<1x80x125xi32, #tpu.memory_space<hbm>>
      %dma_start3A_11 = tpu.memref_squeeze %dma_start3A_10 : memref<1x80x125xi32, #tpu.memory_space<hbm>> -> memref<80x125xi32, #tpu.memory_space<hbm>>
      %dma_start3A_12 = arith.constant 0 : i32
      %dma_start3A_13 = arith.constant 0 : i32
      %dma_start3A_14 = tpu.memref_slice %arg3[%add3A, %dma_start3A_12, %dma_start3A_13] : memref<32x80x125xi32, #tpu.memory_space<hbm>> -> memref<1x80x125xi32, #tpu.memory_space<hbm>>
      %dma_start3A_15 = tpu.memref_squeeze %dma_start3A_14 : memref<1x80x125xi32, #tpu.memory_space<hbm>> -> memref<80x125xi32, #tpu.memory_space<hbm>>
      tpu.enqueue_dma source(%dma_start3A_15 : memref<80x125xi32, #tpu.memory_space<hbm>>) target(%arg7 : memref<80x125xi32, #tpu.memory_space<vmem>>) target_semaphore(%run_scoped3A : memref<!tpu.dma_semaphore, #tpu.memory_space<semaphore_mem>>)
      %dma_wait3A = arith.constant 0 : i32
      %dma_wait3A_16 = arith.constant 0 : i32
      %dma_wait3A_17 = tpu.memref_slice %arg3[%add3A, %dma_wait3A, %dma_wait3A_16] : memref<32x80x125xi32, #tpu.memory_space<hbm>> -> memref<1x80x125xi32, #tpu.memory_space<hbm>>
      %dma_wait3A_18 = tpu.memref_squeeze %dma_wait3A_17 : memref<1x80x125xi32, #tpu.memory_space<hbm>> -> memref<80x125xi32, #tpu.memory_space<hbm>>
      %dma_wait3A_19 = arith.constant 0 : i32
      %dma_wait3A_20 = arith.constant 0 : i32
      %dma_wait3A_21 = tpu.memref_slice %arg3[%add3A, %dma_wait3A_19, %dma_wait3A_20] : memref<32x80x125xi32, #tpu.memory_space<hbm>> -> memref<1x80x125xi32, #tpu.memory_space<hbm>>
      %dma_wait3A_22 = tpu.memref_squeeze %dma_wait3A_21 : memref<1x80x125xi32, #tpu.memory_space<hbm>> -> memref<80x125xi32, #tpu.memory_space<hbm>>
      tpu.wait_dma2 semaphore(%run_scoped3A : memref<!tpu.dma_semaphore, #tpu.memory_space<semaphore_mem>>) src(%dma_wait3A_22 : memref<80x125xi32, #tpu.memory_space<hbm>>) dst(%arg7 : memref<80x125xi32, #tpu.memory_space<vmem>>)
      tpu.yield
    }) : () -> ()
    "tpu.region"() ({
      %run_scoped3A = tpu.sem_alloc : memref<!tpu.dma_semaphore, #tpu.memory_space<semaphore_mem>>
      %dma_start3A = arith.constant 0 : i32
      %dma_start3A_9 = arith.constant 0 : i32
      %dma_start3A_10 = tpu.memref_slice %arg4[%add3A, %dma_start3A, %dma_start3A_9] : memref<32x80x125xi32, #tpu.memory_space<hbm>> -> memref<1x80x125xi32, #tpu.memory_space<hbm>>
      %dma_start3A_11 = tpu.memref_squeeze %dma_start3A_10 : memref<1x80x125xi32, #tpu.memory_space<hbm>> -> memref<80x125xi32, #tpu.memory_space<hbm>>
      %dma_start3A_12 = arith.constant 0 : i32
      %dma_start3A_13 = arith.constant 0 : i32
      %dma_start3A_14 = tpu.memref_slice %arg4[%add3A, %dma_start3A_12, %dma_start3A_13] : memref<32x80x125xi32, #tpu.memory_space<hbm>> -> memref<1x80x125xi32, #tpu.memory_space<hbm>>
      %dma_start3A_15 = tpu.memref_squeeze %dma_start3A_14 : memref<1x80x125xi32, #tpu.memory_space<hbm>> -> memref<80x125xi32, #tpu.memory_space<hbm>>
      tpu.enqueue_dma source(%dma_start3A_15 : memref<80x125xi32, #tpu.memory_space<hbm>>) target(%arg8 : memref<80x125xi32, #tpu.memory_space<vmem>>) target_semaphore(%run_scoped3A : memref<!tpu.dma_semaphore, #tpu.memory_space<semaphore_mem>>)
      %dma_wait3A = arith.constant 0 : i32
      %dma_wait3A_16 = arith.constant 0 : i32
      %dma_wait3A_17 = tpu.memref_slice %arg4[%add3A, %dma_wait3A, %dma_wait3A_16] : memref<32x80x125xi32, #tpu.memory_space<hbm>> -> memref<1x80x125xi32, #tpu.memory_space<hbm>>
      %dma_wait3A_18 = tpu.memref_squeeze %dma_wait3A_17 : memref<1x80x125xi32, #tpu.memory_space<hbm>> -> memref<80x125xi32, #tpu.memory_space<hbm>>
      %dma_wait3A_19 = arith.constant 0 : i32
      %dma_wait3A_20 = arith.constant 0 : i32
      %dma_wait3A_21 = tpu.memref_slice %arg4[%add3A, %dma_wait3A_19, %dma_wait3A_20] : memref<32x80x125xi32, #tpu.memory_space<hbm>> -> memref<1x80x125xi32, #tpu.memory_space<hbm>>
      %dma_wait3A_22 = tpu.memref_squeeze %dma_wait3A_21 : memref<1x80x125xi32, #tpu.memory_space<hbm>> -> memref<80x125xi32, #tpu.memory_space<hbm>>
      tpu.wait_dma2 semaphore(%run_scoped3A : memref<!tpu.dma_semaphore, #tpu.memory_space<semaphore_mem>>) src(%dma_wait3A_22 : memref<80x125xi32, #tpu.memory_space<hbm>>) dst(%arg8 : memref<80x125xi32, #tpu.memory_space<vmem>>)
      tpu.yield
    }) : () -> ()
    %barrier3A = arith.constant 0 : index
    tpu.barrier barrier_id(%barrier3A)
    %scan3A = arith.constant 0 : i32
    %scan3A_3 = arith.constant 0 : i32
    %scan3A_4 = arith.constant 80 : i32
    %scan3A_5 = arith.addi %scan3A_3, %scan3A_4 : i32
    %scan3A_6 = arith.constant 1 : i32
    scf.for %scan3A_9 = %scan3A_3 to %scan3A_5 step %scan3A_6  : i32 {
      %dma_start3A = arith.constant 0 : i32
      %dma_start3A_10 = tpu.memref_slice %arg7[%scan3A_9, %dma_start3A] : memref<80x125xi32, #tpu.memory_space<vmem>> -> memref<1x125xi32, #tpu.memory_space<vmem>>
      %dma_start3A_11 = tpu.memref_squeeze %dma_start3A_10 : memref<1x125xi32, #tpu.memory_space<vmem>> -> memref<125xi32, #tpu.memory_space<vmem>>
      %dma_start3A_12 = arith.constant 0 : i32
      %dma_start3A_13 = arith.constant 0 : i32
      %dma_start3A_14 = tpu.memref_slice %arg2[%dma_start3A_12, %dma_start3A_13] : memref<10000x64xf32, #tpu.memory_space<hbm>> -> memref<10000x64xf32, #tpu.memory_space<hbm>>
      tpu.enqueue_indirect_dma source(%dma_start3A_14 : memref<10000x64xf32, #tpu.memory_space<hbm>>) target(%arg9 : memref<125x64xf32, #tpu.memory_space<vmem>>) offsets(%dma_start3A_11 : memref<125xi32, #tpu.memory_space<vmem>>) semaphore(%arg10 : memref<!tpu.dma_semaphore, #tpu.memory_space<semaphore_mem>>)
      %dma_wait3A = arith.constant 0 : i32
      %dma_wait3A_15 = tpu.memref_slice %arg7[%scan3A_9, %dma_wait3A] : memref<80x125xi32, #tpu.memory_space<vmem>> -> memref<1x125xi32, #tpu.memory_space<vmem>>
      %dma_wait3A_16 = tpu.memref_squeeze %dma_wait3A_15 : memref<1x125xi32, #tpu.memory_space<vmem>> -> memref<125xi32, #tpu.memory_space<vmem>>
      %dma_wait3A_17 = arith.constant 0 : i32
      %dma_wait3A_18 = arith.constant 0 : i32
      %dma_wait3A_19 = tpu.memref_slice %arg2[%dma_wait3A_17, %dma_wait3A_18] : memref<10000x64xf32, #tpu.memory_space<hbm>> -> memref<10000x64xf32, #tpu.memory_space<hbm>>
      tpu.wait_indirect_dma semaphore(%arg10 : memref<!tpu.dma_semaphore, #tpu.memory_space<semaphore_mem>>) src(%dma_wait3A_19 : memref<10000x64xf32, #tpu.memory_space<hbm>>) dst(%arg9 : memref<125x64xf32, #tpu.memory_space<vmem>>)
      "tpu.region"() ({
        %run_scoped3A = tpu.sem_alloc : memref<!tpu.dma_semaphore, #tpu.memory_space<semaphore_mem>>
        %dma_start3A_20 = arith.constant 0 : i32
        %dma_start3A_21 = tpu.memref_slice %arg8[%scan3A_9, %dma_start3A_20] : memref<80x125xi32, #tpu.memory_space<vmem>> -> memref<1x125xi32, #tpu.memory_space<vmem>>
        %dma_start3A_22 = tpu.memref_squeeze %dma_start3A_21 : memref<1x125xi32, #tpu.memory_space<vmem>> -> memref<125xi32, #tpu.memory_space<vmem>>
        %dma_start3A_23 = arith.constant 0 : i32
        %dma_start3A_24 = arith.constant 0 : i32
        %dma_start3A_25 = tpu.memref_slice %arg11[%dma_start3A_23, %dma_start3A_24] : memref<10112x64xf32, #tpu.memory_space<vmem_shared>> -> memref<10112x64xf32, #tpu.memory_space<vmem_shared>>
        tpu.enqueue_indirect_dma source(%arg9 : memref<125x64xf32, #tpu.memory_space<vmem>>) target(%dma_start3A_25 : memref<10112x64xf32, #tpu.memory_space<vmem_shared>>) offsets(%dma_start3A_22 : memref<125xi32, #tpu.memory_space<vmem>>) semaphore(%run_scoped3A : memref<!tpu.dma_semaphore, #tpu.memory_space<semaphore_mem>>) {add = true}
        %dma_wait3A_26 = arith.constant 0 : i32
        %dma_wait3A_27 = tpu.memref_slice %arg8[%scan3A_9, %dma_wait3A_26] : memref<80x125xi32, #tpu.memory_space<vmem>> -> memref<1x125xi32, #tpu.memory_space<vmem>>
        %dma_wait3A_28 = tpu.memref_squeeze %dma_wait3A_27 : memref<1x125xi32, #tpu.memory_space<vmem>> -> memref<125xi32, #tpu.memory_space<vmem>>
        %dma_wait3A_29 = arith.constant 0 : i32
        %dma_wait3A_30 = arith.constant 0 : i32
        %dma_wait3A_31 = tpu.memref_slice %arg11[%dma_wait3A_29, %dma_wait3A_30] : memref<10112x64xf32, #tpu.memory_space<vmem_shared>> -> memref<10112x64xf32, #tpu.memory_space<vmem_shared>>
        tpu.wait_indirect_dma semaphore(%run_scoped3A : memref<!tpu.dma_semaphore, #tpu.memory_space<semaphore_mem>>) src(%arg9 : memref<125x64xf32, #tpu.memory_space<vmem>>) dst(%dma_wait3A_31 : memref<10112x64xf32, #tpu.memory_space<vmem_shared>>)
        tpu.yield
      }) : () -> ()
    }
    %scan3A_7 = arith.constant 80 : i32
    %barrier3A_8 = arith.constant 0 : index
    tpu.barrier barrier_id(%barrier3A_8)
    "tpu.region"() ({
      %run_scoped3A = tpu.sem_alloc : memref<!tpu.dma_semaphore, #tpu.memory_space<semaphore_mem>>
      %dma_start3A = arith.constant 0 : i32
      %dma_start3A_9 = tpu.memref_slice %arg6[%arg0, %mul3A_2, %dma_start3A] : memref<2x10112x64xf32, #tpu.memory_space<hbm>> -> memref<1x632x64xf32, #tpu.memory_space<hbm>>
      %dma_start3A_10 = tpu.memref_squeeze %dma_start3A_9 : memref<1x632x64xf32, #tpu.memory_space<hbm>> -> memref<632x64xf32, #tpu.memory_space<hbm>>
      %dma_start3A_11 = arith.constant 0 : i32
      %dma_start3A_12 = tpu.memref_slice %arg11[%mul3A_2, %dma_start3A_11] : memref<10112x64xf32, #tpu.memory_space<vmem_shared>> -> memref<632x64xf32, #tpu.memory_space<vmem_shared>>
      tpu.enqueue_dma source(%dma_start3A_12 : memref<632x64xf32, #tpu.memory_space<vmem_shared>>) target(%dma_start3A_10 : memref<632x64xf32, #tpu.memory_space<hbm>>) target_semaphore(%run_scoped3A : memref<!tpu.dma_semaphore, #tpu.memory_space<semaphore_mem>>)
      %dma_wait3A = arith.constant 0 : i32
      %dma_wait3A_13 = tpu.memref_slice %arg6[%arg0, %mul3A_2, %dma_wait3A] : memref<2x10112x64xf32, #tpu.memory_space<hbm>> -> memref<1x632x64xf32, #tpu.memory_space<hbm>>
      %dma_wait3A_14 = tpu.memref_squeeze %dma_wait3A_13 : memref<1x632x64xf32, #tpu.memory_space<hbm>> -> memref<632x64xf32, #tpu.memory_space<hbm>>
      %dma_wait3A_15 = arith.constant 0 : i32
      %dma_wait3A_16 = tpu.memref_slice %arg11[%mul3A_2, %dma_wait3A_15] : memref<10112x64xf32, #tpu.memory_space<vmem_shared>> -> memref<632x64xf32, #tpu.memory_space<vmem_shared>>
      tpu.wait_dma2 semaphore(%run_scoped3A : memref<!tpu.dma_semaphore, #tpu.memory_space<semaphore_mem>>) src(%dma_wait3A_16 : memref<632x64xf32, #tpu.memory_space<vmem_shared>>) dst(%dma_wait3A_14 : memref<632x64xf32, #tpu.memory_space<hbm>>)
      tpu.yield
    }) : () -> ()
    return
  }
}

#map = affine_map<(d0, d1) -> (0, 0)>
#map1 = affine_map<(d0, d1) -> (0, 0, 0)>
module attributes {stable_mosaic.version = 14 : i64} {
  func.func @k(%arg0: i32, %arg1: i32, %arg2: memref<10000x128xf32, #tpu.memory_space<hbm>>, %arg3: memref<32x80x125xi32, #tpu.memory_space<hbm>>, %arg4: memref<32x80x125xi32, #tpu.memory_space<hbm>>, %arg5: memref<632x128xf32, #tpu.memory_space<hbm>>, %arg6: memref<2x10112x128xf32, #tpu.memory_space<hbm>>, %arg7: memref<80x125xi32, #tpu.memory_space<vmem>>, %arg8: memref<80x125xi32, #tpu.memory_space<vmem>>, %arg9: memref<125x128xf32, #tpu.memory_space<vmem>>, %arg10: memref<!tpu.dma_semaphore, #tpu.memory_space<semaphore_mem>>, %arg11: memref<10112x128xf32, #tpu.memory_space<vmem_shared>>) attributes {dimension_semantics = [#tpu.dimension_semantics<core_parallel>, #tpu.dimension_semantics<subcore_parallel>], iteration_bounds = array<i64: 2, 16>, scalar_prefetch = 0 : i64, scratch_operands = 5 : i64, tpu.core_type = #tpu.core_type<sc_vector_subcore>, window_params = [{transform_indices = #map}, {transform_indices = #map1}, {transform_indices = #map1}, {transform_indices = #map}, {transform_indices = #map1}]} {
    %mul3A = arith.constant 16 : i32
    %mul3A_0 = arith.muli %arg0, %mul3A : i32
    %add3A = arith.addi %mul3A_0, %arg1 : i32
    %mul3A_1 = arith.constant 632 : i32
    %mul3A_2 = arith.muli %arg1, %mul3A_1 : i32
    "tpu.region"() ({
      %run_scoped3A = tpu.sem_alloc : memref<!tpu.dma_semaphore, #tpu.memory_space<semaphore_mem>>
      %dma_start3A = arith.constant 0 : i32
      %dma_start3A_9 = tpu.memref_slice %arg11[%mul3A_2, %dma_start3A] : memref<10112x128xf32, #tpu.memory_space<vmem_shared>> -> memref<632x128xf32, #tpu.memory_space<vmem_shared>>
      tpu.enqueue_dma source(%arg5 : memref<632x128xf32, #tpu.memory_space<hbm>>) target(%dma_start3A_9 : memref<632x128xf32, #tpu.memory_space<vmem_shared>>) target_semaphore(%run_scoped3A : memref<!tpu.dma_semaphore, #tpu.memory_space<semaphore_mem>>)
      %dma_wait3A = arith.constant 0 : i32
      %dma_wait3A_10 = tpu.memref_slice %arg11[%mul3A_2, %dma_wait3A] : memref<10112x128xf32, #tpu.memory_space<vmem_shared>> -> memref<632x128xf32, #tpu.memory_space<vmem_shared>>
      tpu.wait_dma2 semaphore(%run_scoped3A : memref<!tpu.dma_semaphore, #tpu.memory_space<semaphore_mem>>) src(%arg5 : memref<632x128xf32, #tpu.memory_space<hbm>>) dst(%dma_wait3A_10 : memref<632x128xf32, #tpu.memory_space<vmem_shared>>)
      tpu.yield
    }) : () -> ()
    "tpu.region"() ({
      %run_scoped3A = tpu.sem_alloc : memref<!tpu.dma_semaphore, #tpu.memory_space<semaphore_mem>>
      %dma_start3A = arith.constant 0 : i32
      %dma_start3A_9 = arith.constant 0 : i32
      %dma_start3A_10 = tpu.memref_slice %arg3[%add3A, %dma_start3A, %dma_start3A_9] : memref<32x80x125xi32, #tpu.memory_space<hbm>> -> memref<1x80x125xi32, #tpu.memory_space<hbm>>
      %dma_start3A_11 = tpu.memref_squeeze %dma_start3A_10 : memref<1x80x125xi32, #tpu.memory_space<hbm>> -> memref<80x125xi32, #tpu.memory_space<hbm>>
      %dma_start3A_12 = arith.constant 0 : i32
      %dma_start3A_13 = arith.constant 0 : i32
      %dma_start3A_14 = tpu.memref_slice %arg3[%add3A, %dma_start3A_12, %dma_start3A_13] : memref<32x80x125xi32, #tpu.memory_space<hbm>> -> memref<1x80x125xi32, #tpu.memory_space<hbm>>
      %dma_start3A_15 = tpu.memref_squeeze %dma_start3A_14 : memref<1x80x125xi32, #tpu.memory_space<hbm>> -> memref<80x125xi32, #tpu.memory_space<hbm>>
      tpu.enqueue_dma source(%dma_start3A_15 : memref<80x125xi32, #tpu.memory_space<hbm>>) target(%arg7 : memref<80x125xi32, #tpu.memory_space<vmem>>) target_semaphore(%run_scoped3A : memref<!tpu.dma_semaphore, #tpu.memory_space<semaphore_mem>>)
      %dma_wait3A = arith.constant 0 : i32
      %dma_wait3A_16 = arith.constant 0 : i32
      %dma_wait3A_17 = tpu.memref_slice %arg3[%add3A, %dma_wait3A, %dma_wait3A_16] : memref<32x80x125xi32, #tpu.memory_space<hbm>> -> memref<1x80x125xi32, #tpu.memory_space<hbm>>
      %dma_wait3A_18 = tpu.memref_squeeze %dma_wait3A_17 : memref<1x80x125xi32, #tpu.memory_space<hbm>> -> memref<80x125xi32, #tpu.memory_space<hbm>>
      %dma_wait3A_19 = arith.constant 0 : i32
      %dma_wait3A_20 = arith.constant 0 : i32
      %dma_wait3A_21 = tpu.memref_slice %arg3[%add3A, %dma_wait3A_19, %dma_wait3A_20] : memref<32x80x125xi32, #tpu.memory_space<hbm>> -> memref<1x80x125xi32, #tpu.memory_space<hbm>>
      %dma_wait3A_22 = tpu.memref_squeeze %dma_wait3A_21 : memref<1x80x125xi32, #tpu.memory_space<hbm>> -> memref<80x125xi32, #tpu.memory_space<hbm>>
      tpu.wait_dma2 semaphore(%run_scoped3A : memref<!tpu.dma_semaphore, #tpu.memory_space<semaphore_mem>>) src(%dma_wait3A_22 : memref<80x125xi32, #tpu.memory_space<hbm>>) dst(%arg7 : memref<80x125xi32, #tpu.memory_space<vmem>>)
      tpu.yield
    }) : () -> ()
    "tpu.region"() ({
      %run_scoped3A = tpu.sem_alloc : memref<!tpu.dma_semaphore, #tpu.memory_space<semaphore_mem>>
      %dma_start3A = arith.constant 0 : i32
      %dma_start3A_9 = arith.constant 0 : i32
      %dma_start3A_10 = tpu.memref_slice %arg4[%add3A, %dma_start3A, %dma_start3A_9] : memref<32x80x125xi32, #tpu.memory_space<hbm>> -> memref<1x80x125xi32, #tpu.memory_space<hbm>>
      %dma_start3A_11 = tpu.memref_squeeze %dma_start3A_10 : memref<1x80x125xi32, #tpu.memory_space<hbm>> -> memref<80x125xi32, #tpu.memory_space<hbm>>
      %dma_start3A_12 = arith.constant 0 : i32
      %dma_start3A_13 = arith.constant 0 : i32
      %dma_start3A_14 = tpu.memref_slice %arg4[%add3A, %dma_start3A_12, %dma_start3A_13] : memref<32x80x125xi32, #tpu.memory_space<hbm>> -> memref<1x80x125xi32, #tpu.memory_space<hbm>>
      %dma_start3A_15 = tpu.memref_squeeze %dma_start3A_14 : memref<1x80x125xi32, #tpu.memory_space<hbm>> -> memref<80x125xi32, #tpu.memory_space<hbm>>
      tpu.enqueue_dma source(%dma_start3A_15 : memref<80x125xi32, #tpu.memory_space<hbm>>) target(%arg8 : memref<80x125xi32, #tpu.memory_space<vmem>>) target_semaphore(%run_scoped3A : memref<!tpu.dma_semaphore, #tpu.memory_space<semaphore_mem>>)
      %dma_wait3A = arith.constant 0 : i32
      %dma_wait3A_16 = arith.constant 0 : i32
      %dma_wait3A_17 = tpu.memref_slice %arg4[%add3A, %dma_wait3A, %dma_wait3A_16] : memref<32x80x125xi32, #tpu.memory_space<hbm>> -> memref<1x80x125xi32, #tpu.memory_space<hbm>>
      %dma_wait3A_18 = tpu.memref_squeeze %dma_wait3A_17 : memref<1x80x125xi32, #tpu.memory_space<hbm>> -> memref<80x125xi32, #tpu.memory_space<hbm>>
      %dma_wait3A_19 = arith.constant 0 : i32
      %dma_wait3A_20 = arith.constant 0 : i32
      %dma_wait3A_21 = tpu.memref_slice %arg4[%add3A, %dma_wait3A_19, %dma_wait3A_20] : memref<32x80x125xi32, #tpu.memory_space<hbm>> -> memref<1x80x125xi32, #tpu.memory_space<hbm>>
      %dma_wait3A_22 = tpu.memref_squeeze %dma_wait3A_21 : memref<1x80x125xi32, #tpu.memory_space<hbm>> -> memref<80x125xi32, #tpu.memory_space<hbm>>
      tpu.wait_dma2 semaphore(%run_scoped3A : memref<!tpu.dma_semaphore, #tpu.memory_space<semaphore_mem>>) src(%dma_wait3A_22 : memref<80x125xi32, #tpu.memory_space<hbm>>) dst(%arg8 : memref<80x125xi32, #tpu.memory_space<vmem>>)
      tpu.yield
    }) : () -> ()
    %barrier3A = arith.constant 0 : index
    tpu.barrier barrier_id(%barrier3A)
    %scan3A = arith.constant 0 : i32
    %scan3A_3 = arith.constant 0 : i32
    %scan3A_4 = arith.constant 80 : i32
    %scan3A_5 = arith.addi %scan3A_3, %scan3A_4 : i32
    %scan3A_6 = arith.constant 1 : i32
    scf.for %scan3A_9 = %scan3A_3 to %scan3A_5 step %scan3A_6  : i32 {
      %dma_start3A = arith.constant 0 : i32
      %dma_start3A_10 = tpu.memref_slice %arg7[%scan3A_9, %dma_start3A] : memref<80x125xi32, #tpu.memory_space<vmem>> -> memref<1x125xi32, #tpu.memory_space<vmem>>
      %dma_start3A_11 = tpu.memref_squeeze %dma_start3A_10 : memref<1x125xi32, #tpu.memory_space<vmem>> -> memref<125xi32, #tpu.memory_space<vmem>>
      %dma_start3A_12 = arith.constant 0 : i32
      %dma_start3A_13 = arith.constant 0 : i32
      %dma_start3A_14 = tpu.memref_slice %arg2[%dma_start3A_12, %dma_start3A_13] : memref<10000x128xf32, #tpu.memory_space<hbm>> -> memref<10000x128xf32, #tpu.memory_space<hbm>>
      tpu.enqueue_indirect_dma source(%dma_start3A_14 : memref<10000x128xf32, #tpu.memory_space<hbm>>) target(%arg9 : memref<125x128xf32, #tpu.memory_space<vmem>>) offsets(%dma_start3A_11 : memref<125xi32, #tpu.memory_space<vmem>>) semaphore(%arg10 : memref<!tpu.dma_semaphore, #tpu.memory_space<semaphore_mem>>)
      %dma_wait3A = arith.constant 0 : i32
      %dma_wait3A_15 = tpu.memref_slice %arg7[%scan3A_9, %dma_wait3A] : memref<80x125xi32, #tpu.memory_space<vmem>> -> memref<1x125xi32, #tpu.memory_space<vmem>>
      %dma_wait3A_16 = tpu.memref_squeeze %dma_wait3A_15 : memref<1x125xi32, #tpu.memory_space<vmem>> -> memref<125xi32, #tpu.memory_space<vmem>>
      %dma_wait3A_17 = arith.constant 0 : i32
      %dma_wait3A_18 = arith.constant 0 : i32
      %dma_wait3A_19 = tpu.memref_slice %arg2[%dma_wait3A_17, %dma_wait3A_18] : memref<10000x128xf32, #tpu.memory_space<hbm>> -> memref<10000x128xf32, #tpu.memory_space<hbm>>
      tpu.wait_indirect_dma semaphore(%arg10 : memref<!tpu.dma_semaphore, #tpu.memory_space<semaphore_mem>>) src(%dma_wait3A_19 : memref<10000x128xf32, #tpu.memory_space<hbm>>) dst(%arg9 : memref<125x128xf32, #tpu.memory_space<vmem>>)
      "tpu.region"() ({
        %run_scoped3A = tpu.sem_alloc : memref<!tpu.dma_semaphore, #tpu.memory_space<semaphore_mem>>
        %dma_start3A_20 = arith.constant 0 : i32
        %dma_start3A_21 = tpu.memref_slice %arg8[%scan3A_9, %dma_start3A_20] : memref<80x125xi32, #tpu.memory_space<vmem>> -> memref<1x125xi32, #tpu.memory_space<vmem>>
        %dma_start3A_22 = tpu.memref_squeeze %dma_start3A_21 : memref<1x125xi32, #tpu.memory_space<vmem>> -> memref<125xi32, #tpu.memory_space<vmem>>
        %dma_start3A_23 = arith.constant 0 : i32
        %dma_start3A_24 = arith.constant 0 : i32
        %dma_start3A_25 = tpu.memref_slice %arg11[%dma_start3A_23, %dma_start3A_24] : memref<10112x128xf32, #tpu.memory_space<vmem_shared>> -> memref<10112x128xf32, #tpu.memory_space<vmem_shared>>
        tpu.enqueue_indirect_dma source(%arg9 : memref<125x128xf32, #tpu.memory_space<vmem>>) target(%dma_start3A_25 : memref<10112x128xf32, #tpu.memory_space<vmem_shared>>) offsets(%dma_start3A_22 : memref<125xi32, #tpu.memory_space<vmem>>) semaphore(%run_scoped3A : memref<!tpu.dma_semaphore, #tpu.memory_space<semaphore_mem>>) {add = true}
        %dma_wait3A_26 = arith.constant 0 : i32
        %dma_wait3A_27 = tpu.memref_slice %arg8[%scan3A_9, %dma_wait3A_26] : memref<80x125xi32, #tpu.memory_space<vmem>> -> memref<1x125xi32, #tpu.memory_space<vmem>>
        %dma_wait3A_28 = tpu.memref_squeeze %dma_wait3A_27 : memref<1x125xi32, #tpu.memory_space<vmem>> -> memref<125xi32, #tpu.memory_space<vmem>>
        %dma_wait3A_29 = arith.constant 0 : i32
        %dma_wait3A_30 = arith.constant 0 : i32
        %dma_wait3A_31 = tpu.memref_slice %arg11[%dma_wait3A_29, %dma_wait3A_30] : memref<10112x128xf32, #tpu.memory_space<vmem_shared>> -> memref<10112x128xf32, #tpu.memory_space<vmem_shared>>
        tpu.wait_indirect_dma semaphore(%run_scoped3A : memref<!tpu.dma_semaphore, #tpu.memory_space<semaphore_mem>>) src(%arg9 : memref<125x128xf32, #tpu.memory_space<vmem>>) dst(%dma_wait3A_31 : memref<10112x128xf32, #tpu.memory_space<vmem_shared>>)
        tpu.yield
      }) : () -> ()
    }
    %scan3A_7 = arith.constant 80 : i32
    %barrier3A_8 = arith.constant 0 : index
    tpu.barrier barrier_id(%barrier3A_8)
    "tpu.region"() ({
      %run_scoped3A = tpu.sem_alloc : memref<!tpu.dma_semaphore, #tpu.memory_space<semaphore_mem>>
      %dma_start3A = arith.constant 0 : i32
      %dma_start3A_9 = tpu.memref_slice %arg6[%arg0, %mul3A_2, %dma_start3A] : memref<2x10112x128xf32, #tpu.memory_space<hbm>> -> memref<1x632x128xf32, #tpu.memory_space<hbm>>
      %dma_start3A_10 = tpu.memref_squeeze %dma_start3A_9 : memref<1x632x128xf32, #tpu.memory_space<hbm>> -> memref<632x128xf32, #tpu.memory_space<hbm>>
      %dma_start3A_11 = arith.constant 0 : i32
      %dma_start3A_12 = tpu.memref_slice %arg11[%mul3A_2, %dma_start3A_11] : memref<10112x128xf32, #tpu.memory_space<vmem_shared>> -> memref<632x128xf32, #tpu.memory_space<vmem_shared>>
      tpu.enqueue_dma source(%dma_start3A_12 : memref<632x128xf32, #tpu.memory_space<vmem_shared>>) target(%dma_start3A_10 : memref<632x128xf32, #tpu.memory_space<hbm>>) target_semaphore(%run_scoped3A : memref<!tpu.dma_semaphore, #tpu.memory_space<semaphore_mem>>)
      %dma_wait3A = arith.constant 0 : i32
      %dma_wait3A_13 = tpu.memref_slice %arg6[%arg0, %mul3A_2, %dma_wait3A] : memref<2x10112x128xf32, #tpu.memory_space<hbm>> -> memref<1x632x128xf32, #tpu.memory_space<hbm>>
      %dma_wait3A_14 = tpu.memref_squeeze %dma_wait3A_13 : memref<1x632x128xf32, #tpu.memory_space<hbm>> -> memref<632x128xf32, #tpu.memory_space<hbm>>
      %dma_wait3A_15 = arith.constant 0 : i32
      %dma_wait3A_16 = tpu.memref_slice %arg11[%mul3A_2, %dma_wait3A_15] : memref<10112x128xf32, #tpu.memory_space<vmem_shared>> -> memref<632x128xf32, #tpu.memory_space<vmem_shared>>
      tpu.wait_dma2 semaphore(%run_scoped3A : memref<!tpu.dma_semaphore, #tpu.memory_space<semaphore_mem>>) src(%dma_wait3A_16 : memref<632x128xf32, #tpu.memory_space<vmem_shared>>) dst(%dma_wait3A_14 : memref<632x128xf32, #tpu.memory_space<hbm>>)
      tpu.yield
    }) : () -> ()
    return
  }
}

module attributes {stable_mosaic.version = 14 : i64} {
  func.func @_gin_mlp_body(%arg0: memref<10000x128xf32, #tpu.memory_space<vmem>>, %arg1: memref<2x10112x128xf32, #tpu.memory_space<vmem>>, %arg2: memref<128x32xf32, #tpu.memory_space<vmem>>, %arg3: memref<1x32xf32, #tpu.memory_space<vmem>>, %arg4: memref<32x32xf32, #tpu.memory_space<vmem>>, %arg5: memref<1x32xf32, #tpu.memory_space<vmem>>, %arg6: memref<1x32xf32, #tpu.memory_space<vmem>>, %arg7: memref<1x32xf32, #tpu.memory_space<vmem>>, %arg8: memref<10000x32xf32, #tpu.memory_space<vmem>>) attributes {dimension_semantics = [], scalar_prefetch = 0 : i64, scratch_operands = 0 : i64, tpu.core_type = #tpu.core_type<tc>} {
    %get3A = arith.constant 0 : index
    %get3A_0 = arith.constant 0 : index
    %get3A_1 = vector.load %arg0[%get3A, %get3A_0] : memref<10000x128xf32, #tpu.memory_space<vmem>>, vector<10000x128xf32>
    %get3A_2 = arith.constant 0 : index
    %get3A_3 = arith.constant 0 : index
    %get3A_4 = arith.constant 0 : index
    %get3A_5 = vector.load %arg1[%get3A_2, %get3A_3, %get3A_4] : memref<2x10112x128xf32, #tpu.memory_space<vmem>>, vector<1x10000x128xf32>
    %get3A_6 = vector.shape_cast %get3A_5 : vector<1x10000x128xf32> to vector<10000x128xf32>
    %add3A = arith.addf %get3A_1, %get3A_6 : vector<10000x128xf32>
    %get3A_7 = arith.constant 1 : index
    %get3A_8 = arith.constant 0 : index
    %get3A_9 = arith.constant 0 : index
    %get3A_10 = vector.load %arg1[%get3A_7, %get3A_8, %get3A_9] : memref<2x10112x128xf32, #tpu.memory_space<vmem>>, vector<1x10000x128xf32>
    %get3A_11 = vector.shape_cast %get3A_10 : vector<1x10000x128xf32> to vector<10000x128xf32>
    %add3A_12 = arith.addf %add3A, %get3A_11 : vector<10000x128xf32>
    %get3A_13 = arith.constant 0 : index
    %get3A_14 = arith.constant 0 : index
    %get3A_15 = vector.load %arg2[%get3A_13, %get3A_14] : memref<128x32xf32, #tpu.memory_space<vmem>>, vector<128x32xf32>
    %dot_general3A = arith.constant dense<0.000000e+00> : vector<10000x32xf32>
    %dot_general3A_16 = tpu.matmul %add3A_12, %get3A_15, %dot_general3A {dimension_numbers = #tpu.dot_dimension_numbers<[1], [0], [0], [1], [0, 0, 1, 1], [], []>, transpose_lhs_hint = false} : vector<10000x128xf32>, vector<128x32xf32>, vector<10000x32xf32> -> vector<10000x32xf32>
    %get3A_17 = arith.constant 0 : index
    %get3A_18 = arith.constant 0 : index
    %get3A_19 = vector.load %arg3[%get3A_17, %get3A_18] : memref<1x32xf32, #tpu.memory_space<vmem>>, vector<1x32xf32>
    %add3A_20 = vector.broadcast %get3A_19 : vector<1x32xf32> to vector<10000x32xf32>
    %add3A_21 = arith.addf %dot_general3A_16, %add3A_20 : vector<10000x32xf32>
    %max3A = arith.constant 0.000000e+00 : f32
    %max3A_22 = vector.broadcast %max3A : f32 to vector<10000x32xf32>
    %max3A_23 = arith.maximumf %add3A_21, %max3A_22 : vector<10000x32xf32>
    %get3A_24 = arith.constant 0 : index
    %get3A_25 = arith.constant 0 : index
    %get3A_26 = vector.load %arg4[%get3A_24, %get3A_25] : memref<32x32xf32, #tpu.memory_space<vmem>>, vector<32x32xf32>
    %dot_general3A_27 = arith.constant dense<0.000000e+00> : vector<10000x32xf32>
    %dot_general3A_28 = tpu.matmul %max3A_23, %get3A_26, %dot_general3A_27 {dimension_numbers = #tpu.dot_dimension_numbers<[1], [0], [0], [1], [0, 0, 1, 1], [], []>, transpose_lhs_hint = false} : vector<10000x32xf32>, vector<32x32xf32>, vector<10000x32xf32> -> vector<10000x32xf32>
    %get3A_29 = arith.constant 0 : index
    %get3A_30 = arith.constant 0 : index
    %get3A_31 = vector.load %arg5[%get3A_29, %get3A_30] : memref<1x32xf32, #tpu.memory_space<vmem>>, vector<1x32xf32>
    %add3A_32 = vector.broadcast %get3A_31 : vector<1x32xf32> to vector<10000x32xf32>
    %add3A_33 = arith.addf %dot_general3A_28, %add3A_32 : vector<10000x32xf32>
    %reduce_sum3A = arith.constant dense<0.000000e+00> : vector<32xf32>
    %reduce_sum3A_34 = vector.multi_reduction <add>, %add3A_33, %reduce_sum3A [0] : vector<10000x32xf32> to vector<32xf32>
    %broadcast_in_dim3A = vector.shape_cast %reduce_sum3A_34 : vector<32xf32> to vector<1x32xf32>
    %div3A = arith.constant 1.000000e+04 : f32
    %div3A_35 = vector.broadcast %div3A : f32 to vector<1x32xf32>
    %div3A_36 = arith.divf %broadcast_in_dim3A, %div3A_35 : vector<1x32xf32>
    %sub3A = vector.broadcast %div3A_36 : vector<1x32xf32> to vector<10000x32xf32>
    %sub3A_37 = arith.subf %add3A_33, %sub3A : vector<10000x32xf32>
    %integer_pow3A = arith.mulf %sub3A_37, %sub3A_37 : vector<10000x32xf32>
    %reduce_sum3A_38 = arith.constant dense<0.000000e+00> : vector<32xf32>
    %reduce_sum3A_39 = vector.multi_reduction <add>, %integer_pow3A, %reduce_sum3A_38 [0] : vector<10000x32xf32> to vector<32xf32>
    %broadcast_in_dim3A_40 = vector.shape_cast %reduce_sum3A_39 : vector<32xf32> to vector<1x32xf32>
    %div3A_41 = arith.constant 1.000000e+04 : f32
    %div3A_42 = vector.broadcast %div3A_41 : f32 to vector<1x32xf32>
    %div3A_43 = arith.divf %broadcast_in_dim3A_40, %div3A_42 : vector<1x32xf32>
    %sub3A_44 = vector.broadcast %div3A_36 : vector<1x32xf32> to vector<10000x32xf32>
    %sub3A_45 = arith.subf %add3A_33, %sub3A_44 : vector<10000x32xf32>
    %add3A_46 = arith.constant 9.99999974E-6 : f32
    %add3A_47 = vector.broadcast %add3A_46 : f32 to vector<1x32xf32>
    %add3A_48 = arith.addf %div3A_43, %add3A_47 : vector<1x32xf32>
    %rsqrt3A = math.rsqrt %add3A_48 : vector<1x32xf32>
    %mul3A = vector.broadcast %rsqrt3A : vector<1x32xf32> to vector<10000x32xf32>
    %mul3A_49 = arith.mulf %sub3A_45, %mul3A : vector<10000x32xf32>
    %get3A_50 = arith.constant 0 : index
    %get3A_51 = arith.constant 0 : index
    %get3A_52 = vector.load %arg6[%get3A_50, %get3A_51] : memref<1x32xf32, #tpu.memory_space<vmem>>, vector<1x32xf32>
    %mul3A_53 = vector.broadcast %get3A_52 : vector<1x32xf32> to vector<10000x32xf32>
    %mul3A_54 = arith.mulf %mul3A_49, %mul3A_53 : vector<10000x32xf32>
    %get3A_55 = arith.constant 0 : index
    %get3A_56 = arith.constant 0 : index
    %get3A_57 = vector.load %arg7[%get3A_55, %get3A_56] : memref<1x32xf32, #tpu.memory_space<vmem>>, vector<1x32xf32>
    %add3A_58 = vector.broadcast %get3A_57 : vector<1x32xf32> to vector<10000x32xf32>
    %add3A_59 = arith.addf %mul3A_54, %add3A_58 : vector<10000x32xf32>
    %max3A_60 = arith.constant 0.000000e+00 : f32
    %max3A_61 = vector.broadcast %max3A_60 : f32 to vector<10000x32xf32>
    %max3A_62 = arith.maximumf %add3A_59, %max3A_61 : vector<10000x32xf32>
    %swap3A = arith.constant 0 : index
    %swap3A_63 = arith.constant 0 : index
    %swap3A_64 = vector.load %arg8[%swap3A, %swap3A_63] : memref<10000x32xf32, #tpu.memory_space<vmem>>, vector<10000x32xf32>
    tpu.vector_store %arg8[%swap3A, %swap3A_63], %max3A_62 {strides = array<i32>} : memref<10000x32xf32, #tpu.memory_space<vmem>>, vector<10000x32xf32>,
    return
  }
}

module attributes {stable_mosaic.version = 14 : i64} {
  func.func @_gin_mlp_body(%arg0: memref<10000x32xf32, #tpu.memory_space<vmem>>, %arg1: memref<2x10112x32xf32, #tpu.memory_space<vmem>>, %arg2: memref<32x64xf32, #tpu.memory_space<vmem>>, %arg3: memref<1x64xf32, #tpu.memory_space<vmem>>, %arg4: memref<64x64xf32, #tpu.memory_space<vmem>>, %arg5: memref<1x64xf32, #tpu.memory_space<vmem>>, %arg6: memref<1x64xf32, #tpu.memory_space<vmem>>, %arg7: memref<1x64xf32, #tpu.memory_space<vmem>>, %arg8: memref<10000x64xf32, #tpu.memory_space<vmem>>) attributes {dimension_semantics = [], scalar_prefetch = 0 : i64, scratch_operands = 0 : i64, tpu.core_type = #tpu.core_type<tc>} {
    %get3A = arith.constant 0 : index
    %get3A_0 = arith.constant 0 : index
    %get3A_1 = vector.load %arg0[%get3A, %get3A_0] : memref<10000x32xf32, #tpu.memory_space<vmem>>, vector<10000x32xf32>
    %get3A_2 = arith.constant 0 : index
    %get3A_3 = arith.constant 0 : index
    %get3A_4 = arith.constant 0 : index
    %get3A_5 = vector.load %arg1[%get3A_2, %get3A_3, %get3A_4] : memref<2x10112x32xf32, #tpu.memory_space<vmem>>, vector<1x10000x32xf32>
    %get3A_6 = vector.shape_cast %get3A_5 : vector<1x10000x32xf32> to vector<10000x32xf32>
    %add3A = arith.addf %get3A_1, %get3A_6 : vector<10000x32xf32>
    %get3A_7 = arith.constant 1 : index
    %get3A_8 = arith.constant 0 : index
    %get3A_9 = arith.constant 0 : index
    %get3A_10 = vector.load %arg1[%get3A_7, %get3A_8, %get3A_9] : memref<2x10112x32xf32, #tpu.memory_space<vmem>>, vector<1x10000x32xf32>
    %get3A_11 = vector.shape_cast %get3A_10 : vector<1x10000x32xf32> to vector<10000x32xf32>
    %add3A_12 = arith.addf %add3A, %get3A_11 : vector<10000x32xf32>
    %get3A_13 = arith.constant 0 : index
    %get3A_14 = arith.constant 0 : index
    %get3A_15 = vector.load %arg2[%get3A_13, %get3A_14] : memref<32x64xf32, #tpu.memory_space<vmem>>, vector<32x64xf32>
    %dot_general3A = arith.constant dense<0.000000e+00> : vector<10000x64xf32>
    %dot_general3A_16 = tpu.matmul %add3A_12, %get3A_15, %dot_general3A {dimension_numbers = #tpu.dot_dimension_numbers<[1], [0], [0], [1], [0, 0, 1, 1], [], []>, transpose_lhs_hint = false} : vector<10000x32xf32>, vector<32x64xf32>, vector<10000x64xf32> -> vector<10000x64xf32>
    %get3A_17 = arith.constant 0 : index
    %get3A_18 = arith.constant 0 : index
    %get3A_19 = vector.load %arg3[%get3A_17, %get3A_18] : memref<1x64xf32, #tpu.memory_space<vmem>>, vector<1x64xf32>
    %add3A_20 = vector.broadcast %get3A_19 : vector<1x64xf32> to vector<10000x64xf32>
    %add3A_21 = arith.addf %dot_general3A_16, %add3A_20 : vector<10000x64xf32>
    %max3A = arith.constant 0.000000e+00 : f32
    %max3A_22 = vector.broadcast %max3A : f32 to vector<10000x64xf32>
    %max3A_23 = arith.maximumf %add3A_21, %max3A_22 : vector<10000x64xf32>
    %get3A_24 = arith.constant 0 : index
    %get3A_25 = arith.constant 0 : index
    %get3A_26 = vector.load %arg4[%get3A_24, %get3A_25] : memref<64x64xf32, #tpu.memory_space<vmem>>, vector<64x64xf32>
    %dot_general3A_27 = arith.constant dense<0.000000e+00> : vector<10000x64xf32>
    %dot_general3A_28 = tpu.matmul %max3A_23, %get3A_26, %dot_general3A_27 {dimension_numbers = #tpu.dot_dimension_numbers<[1], [0], [0], [1], [0, 0, 1, 1], [], []>, transpose_lhs_hint = false} : vector<10000x64xf32>, vector<64x64xf32>, vector<10000x64xf32> -> vector<10000x64xf32>
    %get3A_29 = arith.constant 0 : index
    %get3A_30 = arith.constant 0 : index
    %get3A_31 = vector.load %arg5[%get3A_29, %get3A_30] : memref<1x64xf32, #tpu.memory_space<vmem>>, vector<1x64xf32>
    %add3A_32 = vector.broadcast %get3A_31 : vector<1x64xf32> to vector<10000x64xf32>
    %add3A_33 = arith.addf %dot_general3A_28, %add3A_32 : vector<10000x64xf32>
    %reduce_sum3A = arith.constant dense<0.000000e+00> : vector<64xf32>
    %reduce_sum3A_34 = vector.multi_reduction <add>, %add3A_33, %reduce_sum3A [0] : vector<10000x64xf32> to vector<64xf32>
    %broadcast_in_dim3A = vector.shape_cast %reduce_sum3A_34 : vector<64xf32> to vector<1x64xf32>
    %div3A = arith.constant 1.000000e+04 : f32
    %div3A_35 = vector.broadcast %div3A : f32 to vector<1x64xf32>
    %div3A_36 = arith.divf %broadcast_in_dim3A, %div3A_35 : vector<1x64xf32>
    %sub3A = vector.broadcast %div3A_36 : vector<1x64xf32> to vector<10000x64xf32>
    %sub3A_37 = arith.subf %add3A_33, %sub3A : vector<10000x64xf32>
    %integer_pow3A = arith.mulf %sub3A_37, %sub3A_37 : vector<10000x64xf32>
    %reduce_sum3A_38 = arith.constant dense<0.000000e+00> : vector<64xf32>
    %reduce_sum3A_39 = vector.multi_reduction <add>, %integer_pow3A, %reduce_sum3A_38 [0] : vector<10000x64xf32> to vector<64xf32>
    %broadcast_in_dim3A_40 = vector.shape_cast %reduce_sum3A_39 : vector<64xf32> to vector<1x64xf32>
    %div3A_41 = arith.constant 1.000000e+04 : f32
    %div3A_42 = vector.broadcast %div3A_41 : f32 to vector<1x64xf32>
    %div3A_43 = arith.divf %broadcast_in_dim3A_40, %div3A_42 : vector<1x64xf32>
    %sub3A_44 = vector.broadcast %div3A_36 : vector<1x64xf32> to vector<10000x64xf32>
    %sub3A_45 = arith.subf %add3A_33, %sub3A_44 : vector<10000x64xf32>
    %add3A_46 = arith.constant 9.99999974E-6 : f32
    %add3A_47 = vector.broadcast %add3A_46 : f32 to vector<1x64xf32>
    %add3A_48 = arith.addf %div3A_43, %add3A_47 : vector<1x64xf32>
    %rsqrt3A = math.rsqrt %add3A_48 : vector<1x64xf32>
    %mul3A = vector.broadcast %rsqrt3A : vector<1x64xf32> to vector<10000x64xf32>
    %mul3A_49 = arith.mulf %sub3A_45, %mul3A : vector<10000x64xf32>
    %get3A_50 = arith.constant 0 : index
    %get3A_51 = arith.constant 0 : index
    %get3A_52 = vector.load %arg6[%get3A_50, %get3A_51] : memref<1x64xf32, #tpu.memory_space<vmem>>, vector<1x64xf32>
    %mul3A_53 = vector.broadcast %get3A_52 : vector<1x64xf32> to vector<10000x64xf32>
    %mul3A_54 = arith.mulf %mul3A_49, %mul3A_53 : vector<10000x64xf32>
    %get3A_55 = arith.constant 0 : index
    %get3A_56 = arith.constant 0 : index
    %get3A_57 = vector.load %arg7[%get3A_55, %get3A_56] : memref<1x64xf32, #tpu.memory_space<vmem>>, vector<1x64xf32>
    %add3A_58 = vector.broadcast %get3A_57 : vector<1x64xf32> to vector<10000x64xf32>
    %add3A_59 = arith.addf %mul3A_54, %add3A_58 : vector<10000x64xf32>
    %max3A_60 = arith.constant 0.000000e+00 : f32
    %max3A_61 = vector.broadcast %max3A_60 : f32 to vector<10000x64xf32>
    %max3A_62 = arith.maximumf %add3A_59, %max3A_61 : vector<10000x64xf32>
    %swap3A = arith.constant 0 : index
    %swap3A_63 = arith.constant 0 : index
    %swap3A_64 = vector.load %arg8[%swap3A, %swap3A_63] : memref<10000x64xf32, #tpu.memory_space<vmem>>, vector<10000x64xf32>
    tpu.vector_store %arg8[%swap3A, %swap3A_63], %max3A_62 {strides = array<i32>} : memref<10000x64xf32, #tpu.memory_space<vmem>>, vector<10000x64xf32>,
    return
  }
}

module attributes {stable_mosaic.version = 14 : i64} {
  func.func @_final_body(%arg0: memref<10000x64xf32, #tpu.memory_space<vmem>>, %arg1: memref<2x10112x64xf32, #tpu.memory_space<vmem>>, %arg2: memref<64x128xf32, #tpu.memory_space<vmem>>, %arg3: memref<1x128xf32, #tpu.memory_space<vmem>>, %arg4: memref<128x128xf32, #tpu.memory_space<vmem>>, %arg5: memref<1x128xf32, #tpu.memory_space<vmem>>, %arg6: memref<1x128xf32, #tpu.memory_space<vmem>>, %arg7: memref<1x128xf32, #tpu.memory_space<vmem>>, %arg8: memref<1x10000xi32, #tpu.memory_space<vmem>>, %arg9: memref<128x64xf32, #tpu.memory_space<vmem>>, %arg10: memref<1x64xf32, #tpu.memory_space<vmem>>, %arg11: memref<64x1xf32, #tpu.memory_space<vmem>>, %arg12: memref<1x1xf32, #tpu.memory_space<vmem>>, %arg13: memref<128x1xf32, #tpu.memory_space<vmem>>) attributes {dimension_semantics = [], scalar_prefetch = 0 : i64, scratch_operands = 0 : i64, tpu.core_type = #tpu.core_type<tc>} {
    %get3A = arith.constant 0 : index
    %get3A_0 = arith.constant 0 : index
    %get3A_1 = vector.load %arg0[%get3A, %get3A_0] : memref<10000x64xf32, #tpu.memory_space<vmem>>, vector<10000x64xf32>
    %get3A_2 = arith.constant 0 : index
    %get3A_3 = arith.constant 0 : index
    %get3A_4 = arith.constant 0 : index
    %get3A_5 = vector.load %arg1[%get3A_2, %get3A_3, %get3A_4] : memref<2x10112x64xf32, #tpu.memory_space<vmem>>, vector<1x10000x64xf32>
    %get3A_6 = vector.shape_cast %get3A_5 : vector<1x10000x64xf32> to vector<10000x64xf32>
    %add3A = arith.addf %get3A_1, %get3A_6 : vector<10000x64xf32>
    %get3A_7 = arith.constant 1 : index
    %get3A_8 = arith.constant 0 : index
    %get3A_9 = arith.constant 0 : index
    %get3A_10 = vector.load %arg1[%get3A_7, %get3A_8, %get3A_9] : memref<2x10112x64xf32, #tpu.memory_space<vmem>>, vector<1x10000x64xf32>
    %get3A_11 = vector.shape_cast %get3A_10 : vector<1x10000x64xf32> to vector<10000x64xf32>
    %add3A_12 = arith.addf %add3A, %get3A_11 : vector<10000x64xf32>
    %get3A_13 = arith.constant 0 : index
    %get3A_14 = arith.constant 0 : index
    %get3A_15 = vector.load %arg2[%get3A_13, %get3A_14] : memref<64x128xf32, #tpu.memory_space<vmem>>, vector<64x128xf32>
    %dot_general3A = arith.constant dense<0.000000e+00> : vector<10000x128xf32>
    %dot_general3A_16 = tpu.matmul %add3A_12, %get3A_15, %dot_general3A {dimension_numbers = #tpu.dot_dimension_numbers<[1], [0], [0], [1], [0, 0, 1, 1], [], []>, transpose_lhs_hint = false} : vector<10000x64xf32>, vector<64x128xf32>, vector<10000x128xf32> -> vector<10000x128xf32>
    %get3A_17 = arith.constant 0 : index
    %get3A_18 = arith.constant 0 : index
    %get3A_19 = vector.load %arg3[%get3A_17, %get3A_18] : memref<1x128xf32, #tpu.memory_space<vmem>>, vector<1x128xf32>
    %add3A_20 = vector.broadcast %get3A_19 : vector<1x128xf32> to vector<10000x128xf32>
    %add3A_21 = arith.addf %dot_general3A_16, %add3A_20 : vector<10000x128xf32>
    %max3A = arith.constant 0.000000e+00 : f32
    %max3A_22 = vector.broadcast %max3A : f32 to vector<10000x128xf32>
    %max3A_23 = arith.maximumf %add3A_21, %max3A_22 : vector<10000x128xf32>
    %get3A_24 = arith.constant 0 : index
    %get3A_25 = arith.constant 0 : index
    %get3A_26 = vector.load %arg4[%get3A_24, %get3A_25] : memref<128x128xf32, #tpu.memory_space<vmem>>, vector<128x128xf32>
    %dot_general3A_27 = arith.constant dense<0.000000e+00> : vector<10000x128xf32>
    %dot_general3A_28 = tpu.matmul %max3A_23, %get3A_26, %dot_general3A_27 {dimension_numbers = #tpu.dot_dimension_numbers<[1], [0], [0], [1], [0, 0, 1, 1], [], []>, transpose_lhs_hint = false} : vector<10000x128xf32>, vector<128x128xf32>, vector<10000x128xf32> -> vector<10000x128xf32>
    %get3A_29 = arith.constant 0 : index
    %get3A_30 = arith.constant 0 : index
    %get3A_31 = vector.load %arg5[%get3A_29, %get3A_30] : memref<1x128xf32, #tpu.memory_space<vmem>>, vector<1x128xf32>
    %add3A_32 = vector.broadcast %get3A_31 : vector<1x128xf32> to vector<10000x128xf32>
    %add3A_33 = arith.addf %dot_general3A_28, %add3A_32 : vector<10000x128xf32>
    %reduce_sum3A = arith.constant dense<0.000000e+00> : vector<128xf32>
    %reduce_sum3A_34 = vector.multi_reduction <add>, %add3A_33, %reduce_sum3A [0] : vector<10000x128xf32> to vector<128xf32>
    %broadcast_in_dim3A = vector.shape_cast %reduce_sum3A_34 : vector<128xf32> to vector<1x128xf32>
    %div3A = arith.constant 1.000000e+04 : f32
    %div3A_35 = vector.broadcast %div3A : f32 to vector<1x128xf32>
    %div3A_36 = arith.divf %broadcast_in_dim3A, %div3A_35 : vector<1x128xf32>
    %sub3A = vector.broadcast %div3A_36 : vector<1x128xf32> to vector<10000x128xf32>
    %sub3A_37 = arith.subf %add3A_33, %sub3A : vector<10000x128xf32>
    %integer_pow3A = arith.mulf %sub3A_37, %sub3A_37 : vector<10000x128xf32>
    %reduce_sum3A_38 = arith.constant dense<0.000000e+00> : vector<128xf32>
    %reduce_sum3A_39 = vector.multi_reduction <add>, %integer_pow3A, %reduce_sum3A_38 [0] : vector<10000x128xf32> to vector<128xf32>
    %broadcast_in_dim3A_40 = vector.shape_cast %reduce_sum3A_39 : vector<128xf32> to vector<1x128xf32>
    %div3A_41 = arith.constant 1.000000e+04 : f32
    %div3A_42 = vector.broadcast %div3A_41 : f32 to vector<1x128xf32>
    %div3A_43 = arith.divf %broadcast_in_dim3A_40, %div3A_42 : vector<1x128xf32>
    %sub3A_44 = vector.broadcast %div3A_36 : vector<1x128xf32> to vector<10000x128xf32>
    %sub3A_45 = arith.subf %add3A_33, %sub3A_44 : vector<10000x128xf32>
    %add3A_46 = arith.constant 9.99999974E-6 : f32
    %add3A_47 = vector.broadcast %add3A_46 : f32 to vector<1x128xf32>
    %add3A_48 = arith.addf %div3A_43, %add3A_47 : vector<1x128xf32>
    %rsqrt3A = math.rsqrt %add3A_48 : vector<1x128xf32>
    %mul3A = vector.broadcast %rsqrt3A : vector<1x128xf32> to vector<10000x128xf32>
    %mul3A_49 = arith.mulf %sub3A_45, %mul3A : vector<10000x128xf32>
    %get3A_50 = arith.constant 0 : index
    %get3A_51 = arith.constant 0 : index
    %get3A_52 = vector.load %arg6[%get3A_50, %get3A_51] : memref<1x128xf32, #tpu.memory_space<vmem>>, vector<1x128xf32>
    %mul3A_53 = vector.broadcast %get3A_52 : vector<1x128xf32> to vector<10000x128xf32>
    %mul3A_54 = arith.mulf %mul3A_49, %mul3A_53 : vector<10000x128xf32>
    %get3A_55 = arith.constant 0 : index
    %get3A_56 = arith.constant 0 : index
    %get3A_57 = vector.load %arg7[%get3A_55, %get3A_56] : memref<1x128xf32, #tpu.memory_space<vmem>>, vector<1x128xf32>
    %add3A_58 = vector.broadcast %get3A_57 : vector<1x128xf32> to vector<10000x128xf32>
    %add3A_59 = arith.addf %mul3A_54, %add3A_58 : vector<10000x128xf32>
    %max3A_60 = arith.constant 0.000000e+00 : f32
    %max3A_61 = vector.broadcast %max3A_60 : f32 to vector<10000x128xf32>
    %max3A_62 = arith.maximumf %add3A_59, %max3A_61 : vector<10000x128xf32>
    %get3A_63 = arith.constant 0 : index
    %get3A_64 = arith.constant 0 : index
    %get3A_65 = vector.load %arg8[%get3A_63, %get3A_64] : memref<1x10000xi32, #tpu.memory_space<vmem>>, vector<1x10000xi32>
    %iota3A = tpu.iota {dimensions = array<i32: 0>} : vector<128x10000xi32>
    %eq3A = vector.broadcast %get3A_65 : vector<1x10000xi32> to vector<128x10000xi32>
    %eq3A_66 = arith.cmpi eq, %eq3A, %iota3A : vector<128x10000xi32>
    %convert_element_type3A = arith.extui %eq3A_66 : vector<128x10000xi1> to vector<128x10000xi32>
    %convert_element_type3A_67 = arith.sitofp %convert_element_type3A : vector<128x10000xi32> to vector<128x10000xf32>
    %dot_general3A_68 = arith.constant dense<0.000000e+00> : vector<128x128xf32>
    %dot_general3A_69 = tpu.matmul %convert_element_type3A_67, %max3A_62, %dot_general3A_68 {dimension_numbers = #tpu.dot_dimension_numbers<[1], [0], [0], [1], [0, 0, 1, 1], [], []>, transpose_lhs_hint = false} : vector<128x10000xf32>, vector<10000x128xf32>, vector<128x128xf32> -> vector<128x128xf32>
    %get3A_70 = arith.constant 0 : index
    %get3A_71 = arith.constant 0 : index
    %get3A_72 = vector.load %arg9[%get3A_70, %get3A_71] : memref<128x64xf32, #tpu.memory_space<vmem>>, vector<128x64xf32>
    %dot_general3A_73 = arith.constant dense<0.000000e+00> : vector<128x64xf32>
    %dot_general3A_74 = tpu.matmul %dot_general3A_69, %get3A_72, %dot_general3A_73 {dimension_numbers = #tpu.dot_dimension_numbers<[1], [0], [0], [1], [0, 0, 1, 1], [], []>, transpose_lhs_hint = false} : vector<128x128xf32>, vector<128x64xf32>, vector<128x64xf32> -> vector<128x64xf32>
    %get3A_75 = arith.constant 0 : index
    %get3A_76 = arith.constant 0 : index
    %get3A_77 = vector.load %arg10[%get3A_75, %get3A_76] : memref<1x64xf32, #tpu.memory_space<vmem>>, vector<1x64xf32>
    %add3A_78 = vector.broadcast %get3A_77 : vector<1x64xf32> to vector<128x64xf32>
    %add3A_79 = arith.addf %dot_general3A_74, %add3A_78 : vector<128x64xf32>
    %max3A_80 = arith.constant 0.000000e+00 : f32
    %max3A_81 = vector.broadcast %max3A_80 : f32 to vector<128x64xf32>
    %max3A_82 = arith.maximumf %add3A_79, %max3A_81 : vector<128x64xf32>
    %get3A_83 = arith.constant 0 : index
    %get3A_84 = arith.constant 0 : index
    %get3A_85 = vector.load %arg11[%get3A_83, %get3A_84] : memref<64x1xf32, #tpu.memory_space<vmem>>, vector<64x1xf32>
    %dot_general3A_86 = arith.constant dense<0.000000e+00> : vector<128x1xf32>
    %dot_general3A_87 = tpu.matmul %max3A_82, %get3A_85, %dot_general3A_86 {dimension_numbers = #tpu.dot_dimension_numbers<[1], [0], [0], [1], [0, 0, 1, 1], [], []>, transpose_lhs_hint = false} : vector<128x64xf32>, vector<64x1xf32>, vector<128x1xf32> -> vector<128x1xf32>
    %get3A_88 = arith.constant 0 : index
    %get3A_89 = arith.constant 0 : index
    %get3A_90 = vector.load %arg12[%get3A_88, %get3A_89] : memref<1x1xf32, #tpu.memory_space<vmem>>, vector<1x1xf32>
    %add3A_91 = vector.broadcast %get3A_90 : vector<1x1xf32> to vector<128x1xf32>
    %add3A_92 = arith.addf %dot_general3A_87, %add3A_91 : vector<128x1xf32>
    %swap3A = arith.constant 0 : index
    %swap3A_93 = arith.constant 0 : index
    %swap3A_94 = vector.load %arg13[%swap3A, %swap3A_93] : memref<128x1xf32, #tpu.memory_space<vmem>>, vector<128x1xf32>
    tpu.vector_store %arg13[%swap3A, %swap3A_93], %add3A_92 {strides = array<i32>} : memref<128x1xf32, #tpu.memory_space<vmem>>, vector<128x1xf32>,
    return
  }
}

</mosaic_0001>

<sc_bundles>
// kernel: kernel.11.cloned.1.call-start
scs
__scs_entry_jumppad:
0x0: {  	(pc) =	sbr.rel $0x88, $3  }
0x1: {  	(tag) =	ssettag $0x0;
	lr =	simm.s32 $0x1  }
0x2: {  	[smem:$0x3F88] =	sst lr;
	_ =	strace $0xD0000000  }
0x3: {  	_ = 	snop  }
0x4: {  	_ = 	snop  }
0x5: {  	_ = 	snop  }
0x6: {  	_ = 	snop  }
0x7: {  	_ = 	snop  }
__scs_overlays_trampoline_lowered:
0x8: {  	[smem:$0x3F97] =	sst s0  }
0x9: {  	[smem:$0x3F98] =	sst s1  }
0xa: {  	[smem:$0x3F99] =	sst s2  }
0xb: {  	[smem:$0x3F9A] =	sst s3  }
0xc: {  	[smem:$0x3F9B] =	sst s4  }
0xd: {  	[smem:$0x3F9C] =	sst s5  }
0xe: {  	[smem:$0x3F9D] =	sst s6  }
0xf: {  	[smem:$0x3F9E] =	sst s7  }
0x10: {  	[smem:$0x3F9F] =	sst s8  }
0x11: {  	[smem:$0x3FA0] =	sst s9;
	s0 =	simm.s32 @!p0 $0x0  }
0x12: {  	s1 =	sld [smem:$0x3F86];
	s0 =	simm.s32 @p0 $0x1  }
0x13: {  	[smem:$0x3FA1] =	sst s0;
	s0 =	simm.s32 @!p1 $0x0  }
0x14: {  	s2 =	sld [smem:$0x3F85];
	s0 =	simm.s32 @p1 $0x1  }
0x15: {  	[smem:$0x3FA2] =	sst s0;
	s0 =	simm.s32 @!p2 $0x0  }
0x16: {  	s3 =	sld [smem:$0x3FDB];
	s0 =	simm.s32 @p2 $0x1  }
0x17: {  	s4 =	simm.s32 $0x1BF5;
	[smem:$0x3FA4] =	sst s0  }
0x18: {  	s0 =	sld [smem:$0x3F87];
	_ =	swait.ge [sflag:s4], $0x0  }
0x19: {  	s7 =	sld [smem:$0x3F88]  }
0x1a: {  	s8 =	sadd.s32 $0xFFFFE003, lr  }
0x1b: {  	s9 =	sadd.s32 $0xFFFFFEF7, lr;
	s5 =	simm.s32 $0xFFFFFFFF;
	p2 =	slt.u32 s8, $0xFFFFF086  }
0x1c: {  	p1 =	slt.u32 s9, $0xF7A;
	s5 =	simm.s32 @!p2 $0x0  }
0x1d: {  	s5 =	simm.s32 @p1 $0x1;
	p0 =	seq.s32 s7, s2  }
0x1e: {  	s7 =	smul.u32 @!p0 $0xF7A, s2;
	p2 =	seq.s32 @!p0 s5, $0x0  }
0x1f: {  	s9 =	smul.u32 $0xF7A, s1;
	s8 =	simm.s32 @!p0 $0x1BF5;
	p2 =	por !p2, p0  }
0x20: {  	[sflag:s8] =	ssyncset.s32 @!p0 $0xFFFFF086;
	s6 =	sadd.s32 @!p0 s3, s7;
	s7 =	simm.s32 @!p0 $0x108  }
0x21: {  	s3 =	sadd.s32 s3, s9;
	s6 =	sadd.s32 @!p0 $0x88, s6;
	s7 =	simm.s32 @p2 $0x1082  }
0x22: {  	[simem:s7], [sflag:s8] =	dma.local @!p0 [hbm:s6], $0xF7A  }
0x23: {  	s9 =	sor.u32 $0xD0000000, s2;
	s6 =	simm.s32 $0x108;
	_ =	swait.ge @!p0 [sflag:s8], $0x0  }
0x24: {  	s3 =	sadd.s32 $0x88, s3;
	s6 =	simm.s32 @!p1 $0x1082;
	[sflag:s4] =	ssyncset.s32 $0xFFFFF086  }
0x25: {  	[simem:s6], [sflag:s4] =	dma.local [hbm:s3], $0xF7A  }
0x26: {  	[smem:$0x3F88] =	sst s1;
	(tag) =	ssettag s2;
	_ =	strace s9  }
0x27: {  	s1 =	sld [smem:$0x3F98]  }
0x28: {  	s2 =	sld [smem:$0x3F99]  }
0x29: {  	s4 =	sld [smem:$0x3F9B]  }
0x2a: {  	p0 =	seq.s32 s5, $0x0;
	s5 =	sld [smem:$0x3F9C]  }
0x2b: {  	s6 =	sld [smem:$0x3F9D]  }
0x2c: {  	s7 =	sld [smem:$0x3F9E]  }
0x2d: {  	s3 =	simm.s32 $0x108;
	s8 =	sld [smem:$0x3F9F]  }
0x2e: {  	s3 =	simm.s32 @!p0 $0x1082;
	s9 =	sld [smem:$0x3FA0]  }
0x2f: {  	lr =	sadd.s32 s0, s3;
	s0 =	sld [smem:$0x3F97]  }
0x30: {  	s3 =	sld [smem:$0x3F9A]  }
0x31: {  	[smem:$0x3FA3] =	sst s10  }
0x32: {  	s10 =	sld [smem:$0x3FA1];
	_ =	sdelay $0x3  }
0x33: {  	p0 =	seq.s32 s10, $0x1;
	s10 =	sld [smem:$0x3FA3];
	_ =	sdelay $0x3  }
0x34: {  	[smem:$0x3FA3] =	sst s10  }
0x35: {  	s10 =	sld [smem:$0x3FA2];
	_ =	sdelay $0x3  }
0x36: {  	p1 =	seq.s32 s10, $0x1;
	s10 =	sld [smem:$0x3FA3];
	_ =	sdelay $0x3  }
0x37: {  	[smem:$0x3FA3] =	sst s10  }
0x38: {  	s10 =	sld [smem:$0x3FA4]  }
0x39: {  	_ = 	snop;
	(pc) =	sbr.ind lr, $3  }
0x3a: {  	_ = 	snop  }
0x3b: {  	_ = 	snop  }
0x3c: {  	p2 =	seq.s32 s10, $0x1;
	s10 =	sld [smem:$0x3FA3]  }
0x3d: {  	_ =	shalt  }
0x3e: {  	_ =	shalt  }
0x3f: {  	_ =	shalt  }
0x40: {  	_ =	shalt  }
0x41: {  	_ =	shalt  }
0x42: {  	_ =	shalt  }
0x43: {  	_ =	shalt  }
0x44: {  	_ =	shalt  }
0x45: {  	_ =	shalt  }
0x46: {  	_ =	shalt  }
0x47: {  	_ =	shalt  }
0x48: {  	_ =	shalt  }
0x49: {  	_ =	shalt  }
0x4a: {  	_ =	shalt  }
0x4b: {  	_ =	shalt  }
0x4c: {  	_ =	shalt  }
0x4d: {  	_ =	shalt  }
0x4e: {  	_ =	shalt  }
0x4f: {  	_ =	shalt  }
0x50: {  	_ =	shalt  }
0x51: {  	_ =	shalt  }
0x52: {  	_ =	shalt  }
0x53: {  	_ =	shalt  }
0x54: {  	_ =	shalt  }
0x55: {  	_ =	shalt  }
0x56: {  	_ =	shalt  }
0x57: {  	_ =	shalt  }
0x58: {  	_ =	shalt  }
0x59: {  	_ =	shalt  }
0x5a: {  	_ =	shalt  }
0x5b: {  	_ =	shalt  }
0x5c: {  	_ =	shalt  }
0x5d: {  	_ =	shalt  }
0x5e: {  	_ =	shalt  }
0x5f: {  	_ =	shalt  }
0x60: {  	_ =	shalt  }
0x61: {  	_ =	shalt  }
0x62: {  	_ =	shalt  }
0x63: {  	_ =	shalt  }
0x64: {  	_ =	shalt  }
0x65: {  	_ =	shalt  }
0x66: {  	_ =	shalt  }
0x67: {  	_ =	shalt  }
0x68: {  	_ =	shalt  }
0x69: {  	_ =	shalt  }
0x6a: {  	_ =	shalt  }
0x6b: {  	_ =	shalt  }
0x6c: {  	_ =	shalt  }
0x6d: {  	_ =	shalt  }
0x6e: {  	_ =	shalt  }
0x6f: {  	_ =	shalt  }
0x70: {  	_ =	shalt  }
0x71: {  	_ =	shalt  }
0x72: {  	_ =	shalt  }
0x73: {  	_ =	shalt  }
0x74: {  	_ =	shalt  }
0x75: {  	_ =	shalt  }
0x76: {  	_ =	shalt  }
0x77: {  	_ =	shalt  }
0x78: {  	_ =	shalt  }
0x79: {  	_ =	shalt  }
0x7a: {  	_ =	shalt  }
0x7b: {  	_ =	shalt  }
0x7c: {  	_ =	shalt  }
0x7d: {  	_ =	shalt  }
0x7e: {  	_ =	shalt  }
0x7f: {  	_ =	shalt  }
0x80: {  	_ =	shalt  }
0x81: {  	_ =	shalt  }
0x82: {  	_ =	shalt  }
0x83: {  	_ =	shalt  }
0x84: {  	_ =	shalt  }
0x85: {  	_ =	shalt  }
0x86: {  	_ =	shalt  }
0x87: {  	_ =	shalt  }
.Lfunc_end0:
.L_simem_size_0:
called_computation.1_lowered:
.L_overlay_start_0:
0x88: {  	s2 =	sld [smem:$0x3FD9]  }
0x89: {  	s3 =	sld [smem:$0x3FFE];
	_ =	sdelay $0x1  }
0x8a: {  	s1 =	srdreg.scid  }
0x8b: {  	s0 =	sand.u32 $0x1, s1  }
0x8c: {  	s16 =	sshll.u32 s0, $0xA;
	s2 =	sadd.s32 s3, s2  }
0x8d: {  	s2 =	sadd.s32 s2, s16  }
0x8e: {  	[smem:$0x3FAF] =	sst s2  }
0x8f: {  	_ = 	snop  }
0x90: {  	(tm) =	ssettm $0x1  }
0x91: {  	s17 =	sld [smem:$0x3FFB];
	_ =	sdelay $0x3  }
0x92: {  	_ =	strace s17  }
0x93: {  	s2 =	sld [smem:$0x3FFC];
	_ =	sdelay $0x3  }
0x94: {  	_ =	strace s2  }
0x95: {  	s2 =	sld [smem:$0x3FFD];
	_ =	sdelay $0x3  }
0x96: {  	_ =	strace s2  }
0x97: {  	_ =	strace $0x8FFFFFFF  }
0x98: {  	s18 =	sld [smem:$0x3FDB];
	_ =	sdelay $0x1  }
0x99: {  	s19 =	simm.s32 $_scs_section_size  }
0x9a: {  	s4 =	simm.s32 $_size__tile_overlayer_lowered;
	s5 =	simm.s32 $_tile_overlayer_lowered  }
0x9b: {  	s22 =	simm.s32 $0x1BFF;
	s21 =	sshll.u32 s5, $0x1;
	s2 =	sadd.s32 s19, s18  }
0x9c: {  	s6 =	simm.s32 $0x0;
	s20 =	sshll.u32 s4, $0x1;
	s4 =	sadd.s32 s21, s2  }
0x9d: {  	[timem:s6], [sflag:s22] =	dma.local [hbm:s4], s20  }
0x9e: {  	_ =	swait.ge [sflag:s22], s20  }
0x9f: {  	s3 =	ssub.s32 $0x0, s20;
	[sflag:s22] =	ssyncset.done $0x0  }
0xa0: {  	[sflag:s22] =	ssyncadd.s32 s3;
	_ =	sdelay $0x1  }
0xa1: {  	s23 =	simm.s32 $0x1B8B  }
0xa2: {  	_ =	swait.ge [sflag:s23], $0x1  }
0xa3: {  	[sflag:s23] =	ssyncset.done $0x0  }
0xa4: {  	s25 =	simm.s32 $0x1B8E;
	s24 =	sld [smem:$0x3FFE];
	[sflag:s23] =	ssyncadd.s32 $0xFFFFFFFF  }
0xa5: {  	s26 =	simm.s32 $execute0_lowered;
	[smem:$0x3FD2] =	sst s25  }
0xa6: {  	s4 =	sshll.u32 s26, $0x1;
	_ =	strace $0x80000049;
	[dreg:$0x1] =	wrdreg $0xFFFFFFFF  }
0xa7: {  	s28 =	simm.s32 $_size_execute0_lowered;
	s2 =	sadd.s32 s2, s4;
	[dreg:$0x0] =	wrdreg $0x0  }
0xa8: {  	s4 =	sshll.u32 s28, $0x1;
	[dreg:$0x2] =	wrdreg s2  }
0xa9: {  	[dreg:$0x3] =	wrdreg s4  }
0xaa: {  	[dreg:$0x4] =	wrdreg $0xC0  }
0xab: {  	_ =	task [dreg:s6], $0x5FFFF  }
0xac: {  	[dreg:$0x1] =	wrdreg $0xFFFFFFFF  }
0xad: {  	[dreg:$0x0] =	wrdreg $0x60  }
0xae: {  	[dreg:$0x2] =	wrdreg s24  }
0xaf: {  	[dreg:$0x3] =	wrdreg $0x5FA00  }
0xb0: {  	[dreg:$0x4] =	wrdreg $0x9  }
0xb1: {  	_ =	task.clear_ibuf [dreg:s6], $0x5FFFF;
	_ =	strace $0x90000049  }
0xb2: {  	s29 =	simm.s32 $0x9;
	_ =	strace $0x8000004B  }
0xb3: {  	_ =	swait.ge [sflag:s29], $0x1  }
0xb4: {  	[sflag:s29] =	ssyncadd.s32 $0xFFFFFFFF  }
0xb5: {  	_ =	strace $0x9000004B  }
0xb6: {  	_ =	sfence  }
0xb7: {  	s30 =	sld [smem:$0x0];
	_ =	sdelay $0x2  }
0xb8: {  	s31 =	sshll.u32 s1, $0xD;
	s1 =	sshrl.u32 s1, $0x2  }
0xb9: {  	s3 =	sand.u32 $0x4000, s31;
	s1 =	sadd.s32 s1, s30  }
0xba: {  	s0 =	sor.u32 s3, s0;
	s1 =	sshll.u32 s1, $0x11  }
0xbb: {  	s0 =	sor.u32 s1, s0  }
0xbc: {  	s0 =	sadd.s32 $0x8F2B, s0  }
0xbd: {  	[sflag:s0] =	ssyncadd.remote.s32 $0x1  }
0xbe: {  	_ =	sfence.sel $0xFFFF  }
0xbf: {  	[dreg:$0x0] =	wrdreg $0xFFFFFFFF;
	(pc) =	sbr.abs _section_cstart, $3  }
0xc0: {  	[dreg:$0x1] =	wrdreg $0xFFFFFFFF  }
0xc1: {  	_ =	task.clear_ibuf [dreg:s6], $0x2FFFF;
	_ =	strace $0x9FFFFFFF  }
0xc2: {  	(tm) =	ssettm $0x7FFFFFFF  }
0xc3: {  	_ =	shalt  }
tec
execute0_lowered:
.L_overlay_start_1:
0x0: {  	(tag) =	ssettag $0x1  }
0x1: {  	s6 =	rddreg [dreg:$0x0];
	s0 =	srdreg.scid  }
0x2: {  	s2 =	rddreg [dreg:$0x1];
	s1 =	stileid.u32  }
0x3: {  	s3 =	simm.s32 $0x0;
	s13 =	simm.s32 $0x2800;
	s14 =	simm.s32 $0x7D  }
0x4: {  	s15 =	simm.s32 $0x5000;
	s16 =	simm.s32 $0x1;
	s17 =	simm.s32 $0x0  }
0x5: {  	s5 =	sand.u32 $0x1, s0;
	s0 =	rddreg [dreg:$0x2];
	s7 =	smul.u32 $0x4F00, s1  }
0x6: {  	[smem:$0x7FF] =	sst s3;
	s31 =	sshll.u32 s1, $0x6;
	s4 =	sshll.u32 s5, $0x4  }
0x7: {  	s8 =	smul.u32 $0x4F000, s5;
	_ =	strace $0x8000004A;
	s10 =	ssub.s32 $0x2, s5  }
0x8: {  	s5 =	sadd.s32 $0x21200, s6;
	s4 =	sor.u32 s1, s4;
	s30 =	sshrl.u32 s10, $0x1  }
0x9: {  	s12 =	sadd.s32 s7, s2;
	s9 =	smul.u32 $0x500, s4;
	s8 =	sadd.s32 s7, s8  }
0xa: {  	s4 =	sadd.s32 $0x17400, s6;
	s10 =	ssub.s32 s10, s30;
	s8 =	sshrl.u32 s8, $0x3  }
0xb: {  	s10 =	smax.u32 s10, $0x1;
	s9 =	sadd.s32 s9, s6;
	s11 =	sadd.s32 s8, s6  }
0xc: {  	s6 =	sor.u32 $0x1C02, s31;
	s7 =	sadd.s32 $0xD400, s9;
	s8 =	sadd.s32 $0x3400, s9  }
0xd: {  	s9 =	sadd.s32 $0x21C00, s11;
	s11 =	sshrl.u32 s12, $0x3;
	s12 =	simm.s32 $0x2  }
.LBB2_1:
0xe: {  	[spmem:s11], [sflag:s6] =	dma.local [hbm:s5], $0x9E0  }
0xf: {  	_ =	swait.ge [sflag:s12], $0x9E0  }
0x10: {  	[sflag:s12] =	ssyncset.done $0x0  }
0x11: {  	[sflag:s12] =	ssyncadd.s32 $0xFFFFF620  }
0x12: {  	[tilespmem:s3], [sflag:$0x2] =	stream.linear.gather [hbm4b:s7+s3], $0x2800, $0x38;
	[tilespmem:$0xAEA0] =	vst v63  }
0x13: {  	_ =	swait.ge [sflag:s12], $0x2800  }
0x14: {  	[sflag:s12] =	ssyncset.done $0x0  }
0x15: {  	[sflag:s12] =	ssyncadd.s32 $0xFFFFD800  }
0x16: {  	[tilespmem:s13], [sflag:$0x2] =	stream.linear.gather [hbm4b:s8+s3], $0x2800, $0x38;
	[tilespmem:$0xAEA0] =	vst v63  }
0x17: {  	_ =	swait.ge [sflag:s12], $0x2800  }
0x18: {  	[sflag:s12] =	ssyncset.done $0x0  }
0x19: {  	[sflag:s12] =	ssyncadd.s32 $0xFFFFD800  }
0x1a: {  	s18 =	simm.s32 $0x0;
	[bflag:$0x0] =	sbarrier.arrive $0xFFFF  }
0x1b: {  	[tilespmem:s15], [sflag:$0x1] =	stream.indirect.gather [hbm4b:s4+s14], $0x20, s18, s14, $0xb8;
	[tilespmem:$0xAEA0] =	vst v63  }
0x1c: {  	_ =	swait.ge [sflag:s16], $0xFA0  }
0x1d: {  	[sflag:s16] =	ssyncset.done $0x0  }
0x1e: {  	s31 =	simm.s32 $0x2800;
	[sflag:s16] =	ssyncadd.s32 $0xFFFFF060  }
0x1f: {  	[spmem:s2] =	stream.indirect.scatter.add.f32 [tilespmem:s15], [sflag:$0x2], $0x20, s31, s14, $0xb8;
	[tilespmem:$0xAEA0] =	vst v63  }
0x20: {  	_ =	swait.ge [sflag:s12], $0xFA0  }
0x21: {  	s19 =	simm.s32 $0x400;
	s18 =	simm.s32 $0x200;
	[sflag:s12] =	ssyncset.done $0x0  }
.LBB2_2:
0x22: {  	s20 =	sshra.s32 s18, $0x2  }
0x23: {  	[sflag:s12] =	ssyncadd.s32 $0xFFFFF060;
	s18 =	smov.u32 s19;
	s21 =	sadd.s32 $0x200, s19  }
0x24: {  	[tilespmem:s15], [sflag:$0x1] =	stream.indirect.gather [hbm4b:s4+s14], $0x20, s20, s14, $0xb8;
	[tilespmem:$0xAEA0] =	vst v63  }
0x25: {  	p0 =	sne.s32 s19, $0x9E00;
	_ =	swait.ge [sflag:s16], $0xFA0  }
.Ltmp0:
0x26: {  	[sflag:s16] =	ssyncset.done $0x0;
	(pc) =	sbr.rel @p0 .LBB2_2-.Ltmp0, $4  }
0x27: {  	s19 =	sadd.s32 $0x2800, s20;
	[sflag:s16] =	ssyncadd.s32 $0xFFFFF060  }
0x28: {  	[spmem:s2] =	stream.indirect.scatter.add.f32 [tilespmem:s15], [sflag:$0x2], $0x20, s19, s14, $0xb8;
	[tilespmem:$0xAEA0] =	vst v63  }
0x29: {  	_ =	swait.ge [sflag:s12], $0xFA0  }
0x2a: {  	s19 =	smov.u32 s21;
	[sflag:s12] =	ssyncset.done $0x0  }
0x2b: {  	s18 =	sshra.s32 s18, $0x2;
	[sflag:s12] =	ssyncadd.s32 $0xFFFFF060  }
0x2c: {  	[tilespmem:s15], [sflag:$0x1] =	stream.indirect.gather [hbm4b:s4+s14], $0x20, s18, s14, $0xb8;
	[tilespmem:$0xAEA0] =	vst v63  }
0x2d: {  	_ =	swait.ge [sflag:s16], $0xFA0  }
0x2e: {  	[sflag:s16] =	ssyncset.done $0x0  }
0x2f: {  	s18 =	sadd.s32 $0x2800, s18;
	[sflag:s16] =	ssyncadd.s32 $0xFFFFF060  }
0x30: {  	[spmem:s2] =	stream.indirect.scatter.add.f32 [tilespmem:s15], [sflag:$0x2], $0x20, s18, s14, $0xb8;
	[tilespmem:$0xAEA0] =	vst v63  }
0x31: {  	_ =	swait.ge [sflag:s12], $0xFA0  }
0x32: {  	s17 =	sadd.s32 $0x1, s17;
	[sflag:s12] =	ssyncset.done $0x0  }
0x33: {  	p0 =	sne.s32 s17, s10;
	[sflag:s12] =	ssyncadd.s32 $0xFFFFF060  }
.Ltmp1:
0x34: {  	[bflag:$0x0] =	sbarrier.arrive $0xFFFF;
	(pc) =	sbr.rel @p0 .LBB2_1-.Ltmp1, $4  }
0x35: {  	[hbm:s9], [sflag:s6] =	dma.local [spmem:s11], $0x9E0  }
0x36: {  	_ =	swait.ge [sflag:s12], $0x9E0  }
0x37: {  	[sflag:s12] =	ssyncset.done $0x0  }
0x38: {  	[sflag:s12] =	ssyncadd.s32 $0xFFFFF620  }
0x39: {  	_ =	sfence.sel $0x180000  }
0x3a: {  	[bflag:$0x0] =	sbarrier.arrive $0xFFFF  }
0x3b: {  	p0 =	sne.s32 s1, $0x0;
	_ =	strace $0x9000004A  }
0x3c: {  	s0 =	sadd.s32 @!p0 $0x100000, s0;
	[bflag:$0x2] =	sbarrier.arrive $0xFFFF  }
0x3d: {  	[sflag:s0] =	ssyncadd.tile.s32 @!p0 $0x1;
	_ =	shalt  }
.Lfunc_end2:
_tile_overlayer_lowered:
.L_overlay_start_2:
0x3e: {  	(tag) =	ssettag $0x2  }
0x3f: {  	s0 =	rddreg [dreg:$0x0];
	s2 =	stileid.u32  }
0x40: {  	s1 =	rddreg [dreg:$0x1];
	p0 =	sne.s32 s2, $0x0  }
0x41: {  	s3 =	rddreg [dreg:$0x2];
	[bflag:$0x3] =	sbarrier.arrive $0xFFFF;
	s2 =	simm.s32 @!p0 $0x1C02  }
0x42: {  	[timem:s3], [sflag:s2] =	dma.local @!p0 [hbm:s0], s1  }
0x43: {  	s0 =	simm.s32 @!p0 $0x2  }
0x44: {  	_ =	swait.ge @!p0 [sflag:s0], s1  }
0x45: {  	s1 =	ssub.s32 @!p0 $0x0, s1;
	[sflag:s0] =	ssyncset.done @!p0 $0x0  }
0x46: {  	[sflag:s0] =	ssyncadd.s32 @!p0 s1  }
0x47: {  	[bflag:$0x3] =	sbarrier.arrive $0xFFFF  }
0x48: {  	_ =	shalt  }

// kernel: kernel.14.cloned.1.call-start
scs
__scs_entry_jumppad:
0x0: {  	(pc) =	sbr.rel $0x88, $3  }
0x1: {  	(tag) =	ssettag $0x0;
	lr =	simm.s32 $0x1  }
0x2: {  	[smem:$0x3F88] =	sst lr;
	_ =	strace $0xD0000000  }
0x3: {  	_ = 	snop  }
0x4: {  	_ = 	snop  }
0x5: {  	_ = 	snop  }
0x6: {  	_ = 	snop  }
0x7: {  	_ = 	snop  }
__scs_overlays_trampoline_lowered:
0x8: {  	[smem:$0x3F97] =	sst s0  }
0x9: {  	[smem:$0x3F98] =	sst s1  }
0xa: {  	[smem:$0x3F99] =	sst s2  }
0xb: {  	[smem:$0x3F9A] =	sst s3  }
0xc: {  	[smem:$0x3F9B] =	sst s4  }
0xd: {  	[smem:$0x3F9C] =	sst s5  }
0xe: {  	[smem:$0x3F9D] =	sst s6  }
0xf: {  	[smem:$0x3F9E] =	sst s7  }
0x10: {  	[smem:$0x3F9F] =	sst s8  }
0x11: {  	[smem:$0x3FA0] =	sst s9;
	s0 =	simm.s32 @!p0 $0x0  }
0x12: {  	s1 =	sld [smem:$0x3F86];
	s0 =	simm.s32 @p0 $0x1  }
0x13: {  	[smem:$0x3FA1] =	sst s0;
	s0 =	simm.s32 @!p1 $0x0  }
0x14: {  	s2 =	sld [smem:$0x3F85];
	s0 =	simm.s32 @p1 $0x1  }
0x15: {  	[smem:$0x3FA2] =	sst s0;
	s0 =	simm.s32 @!p2 $0x0  }
0x16: {  	s3 =	sld [smem:$0x3FDB];
	s0 =	simm.s32 @p2 $0x1  }
0x17: {  	s4 =	simm.s32 $0x1BF5;
	[smem:$0x3FA4] =	sst s0  }
0x18: {  	s0 =	sld [smem:$0x3F87];
	_ =	swait.ge [sflag:s4], $0x0  }
0x19: {  	s7 =	sld [smem:$0x3F88]  }
0x1a: {  	s8 =	sadd.s32 $0xFFFFE003, lr  }
0x1b: {  	s9 =	sadd.s32 $0xFFFFFEF7, lr;
	s5 =	simm.s32 $0xFFFFFFFF;
	p2 =	slt.u32 s8, $0xFFFFF086  }
0x1c: {  	p1 =	slt.u32 s9, $0xF7A;
	s5 =	simm.s32 @!p2 $0x0  }
0x1d: {  	s5 =	simm.s32 @p1 $0x1;
	p0 =	seq.s32 s7, s2  }
0x1e: {  	s7 =	smul.u32 @!p0 $0xF7A, s2;
	p2 =	seq.s32 @!p0 s5, $0x0  }
0x1f: {  	s9 =	smul.u32 $0xF7A, s1;
	s8 =	simm.s32 @!p0 $0x1BF5;
	p2 =	por !p2, p0  }
0x20: {  	[sflag:s8] =	ssyncset.s32 @!p0 $0xFFFFF086;
	s6 =	sadd.s32 @!p0 s3, s7;
	s7 =	simm.s32 @!p0 $0x108  }
0x21: {  	s3 =	sadd.s32 s3, s9;
	s6 =	sadd.s32 @!p0 $0x88, s6;
	s7 =	simm.s32 @p2 $0x1082  }
0x22: {  	[simem:s7], [sflag:s8] =	dma.local @!p0 [hbm:s6], $0xF7A  }
0x23: {  	s9 =	sor.u32 $0xD0000000, s2;
	s6 =	simm.s32 $0x108;
	_ =	swait.ge @!p0 [sflag:s8], $0x0  }
0x24: {  	s3 =	sadd.s32 $0x88, s3;
	s6 =	simm.s32 @!p1 $0x1082;
	[sflag:s4] =	ssyncset.s32 $0xFFFFF086  }
0x25: {  	[simem:s6], [sflag:s4] =	dma.local [hbm:s3], $0xF7A  }
0x26: {  	[smem:$0x3F88] =	sst s1;
	(tag) =	ssettag s2;
	_ =	strace s9  }
0x27: {  	s1 =	sld [smem:$0x3F98]  }
0x28: {  	s2 =	sld [smem:$0x3F99]  }
0x29: {  	s4 =	sld [smem:$0x3F9B]  }
0x2a: {  	p0 =	seq.s32 s5, $0x0;
	s5 =	sld [smem:$0x3F9C]  }
0x2b: {  	s6 =	sld [smem:$0x3F9D]  }
0x2c: {  	s7 =	sld [smem:$0x3F9E]  }
0x2d: {  	s3 =	simm.s32 $0x108;
	s8 =	sld [smem:$0x3F9F]  }
0x2e: {  	s3 =	simm.s32 @!p0 $0x1082;
	s9 =	sld [smem:$0x3FA0]  }
0x2f: {  	lr =	sadd.s32 s0, s3;
	s0 =	sld [smem:$0x3F97]  }
0x30: {  	s3 =	sld [smem:$0x3F9A]  }
0x31: {  	[smem:$0x3FA3] =	sst s10  }
0x32: {  	s10 =	sld [smem:$0x3FA1];
	_ =	sdelay $0x3  }
0x33: {  	p0 =	seq.s32 s10, $0x1;
	s10 =	sld [smem:$0x3FA3];
	_ =	sdelay $0x3  }
0x34: {  	[smem:$0x3FA3] =	sst s10  }
0x35: {  	s10 =	sld [smem:$0x3FA2];
	_ =	sdelay $0x3  }
0x36: {  	p1 =	seq.s32 s10, $0x1;
	s10 =	sld [smem:$0x3FA3];
	_ =	sdelay $0x3  }
0x37: {  	[smem:$0x3FA3] =	sst s10  }
0x38: {  	s10 =	sld [smem:$0x3FA4]  }
0x39: {  	_ = 	snop;
	(pc) =	sbr.ind lr, $3  }
0x3a: {  	_ = 	snop  }
0x3b: {  	_ = 	snop  }
0x3c: {  	p2 =	seq.s32 s10, $0x1;
	s10 =	sld [smem:$0x3FA3]  }
0x3d: {  	_ =	shalt  }
0x3e: {  	_ =	shalt  }
0x3f: {  	_ =	shalt  }
0x40: {  	_ =	shalt  }
0x41: {  	_ =	shalt  }
0x42: {  	_ =	shalt  }
0x43: {  	_ =	shalt  }
0x44: {  	_ =	shalt  }
0x45: {  	_ =	shalt  }
0x46: {  	_ =	shalt  }
0x47: {  	_ =	shalt  }
0x48: {  	_ =	shalt  }
0x49: {  	_ =	shalt  }
0x4a: {  	_ =	shalt  }
0x4b: {  	_ =	shalt  }
0x4c: {  	_ =	shalt  }
0x4d: {  	_ =	shalt  }
0x4e: {  	_ =	shalt  }
0x4f: {  	_ =	shalt  }
0x50: {  	_ =	shalt  }
0x51: {  	_ =	shalt  }
0x52: {  	_ =	shalt  }
0x53: {  	_ =	shalt  }
0x54: {  	_ =	shalt  }
0x55: {  	_ =	shalt  }
0x56: {  	_ =	shalt  }
0x57: {  	_ =	shalt  }
0x58: {  	_ =	shalt  }
0x59: {  	_ =	shalt  }
0x5a: {  	_ =	shalt  }
0x5b: {  	_ =	shalt  }
0x5c: {  	_ =	shalt  }
0x5d: {  	_ =	shalt  }
0x5e: {  	_ =	shalt  }
0x5f: {  	_ =	shalt  }
0x60: {  	_ =	shalt  }
0x61: {  	_ =	shalt  }
0x62: {  	_ =	shalt  }
0x63: {  	_ =	shalt  }
0x64: {  	_ =	shalt  }
0x65: {  	_ =	shalt  }
0x66: {  	_ =	shalt  }
0x67: {  	_ =	shalt  }
0x68: {  	_ =	shalt  }
0x69: {  	_ =	shalt  }
0x6a: {  	_ =	shalt  }
0x6b: {  	_ =	shalt  }
0x6c: {  	_ =	shalt  }
0x6d: {  	_ =	shalt  }
0x6e: {  	_ =	shalt  }
0x6f: {  	_ =	shalt  }
0x70: {  	_ =	shalt  }
0x71: {  	_ =	shalt  }
0x72: {  	_ =	shalt  }
0x73: {  	_ =	shalt  }
0x74: {  	_ =	shalt  }
0x75: {  	_ =	shalt  }
0x76: {  	_ =	shalt  }
0x77: {  	_ =	shalt  }
0x78: {  	_ =	shalt  }
0x79: {  	_ =	shalt  }
0x7a: {  	_ =	shalt  }
0x7b: {  	_ =	shalt  }
0x7c: {  	_ =	shalt  }
0x7d: {  	_ =	shalt  }
0x7e: {  	_ =	shalt  }
0x7f: {  	_ =	shalt  }
0x80: {  	_ =	shalt  }
0x81: {  	_ =	shalt  }
0x82: {  	_ =	shalt  }
0x83: {  	_ =	shalt  }
0x84: {  	_ =	shalt  }
0x85: {  	_ =	shalt  }
0x86: {  	_ =	shalt  }
0x87: {  	_ =	shalt  }
.Lfunc_end0:
.L_simem_size_0:
called_computation.2_lowered:
.L_overlay_start_0:
0x88: {  	s2 =	sld [smem:$0x3FD9]  }
0x89: {  	s3 =	sld [smem:$0x3FFE];
	_ =	sdelay $0x1  }
0x8a: {  	s1 =	srdreg.scid  }
0x8b: {  	s0 =	sand.u32 $0x1, s1  }
0x8c: {  	s16 =	sshll.u32 s0, $0xA;
	s2 =	sadd.s32 s3, s2  }
0x8d: {  	s2 =	sadd.s32 s2, s16  }
0x8e: {  	[smem:$0x3FAF] =	sst s2  }
0x8f: {  	_ = 	snop  }
0x90: {  	(tm) =	ssettm $0x1  }
0x91: {  	s17 =	sld [smem:$0x3FFB];
	_ =	sdelay $0x3  }
0x92: {  	_ =	strace s17  }
0x93: {  	s2 =	sld [smem:$0x3FFC];
	_ =	sdelay $0x3  }
0x94: {  	_ =	strace s2  }
0x95: {  	s2 =	sld [smem:$0x3FFD];
	_ =	sdelay $0x3  }
0x96: {  	_ =	strace s2  }
0x97: {  	_ =	strace $0x8FFFFFFF  }
0x98: {  	s18 =	sld [smem:$0x3FDB];
	_ =	sdelay $0x1  }
0x99: {  	s19 =	simm.s32 $_scs_section_size  }
0x9a: {  	s4 =	simm.s32 $_size__tile_overlayer_lowered;
	s5 =	simm.s32 $_tile_overlayer_lowered  }
0x9b: {  	s22 =	simm.s32 $0x1BFF;
	s21 =	sshll.u32 s5, $0x1;
	s2 =	sadd.s32 s19, s18  }
0x9c: {  	s6 =	simm.s32 $0x0;
	s20 =	sshll.u32 s4, $0x1;
	s4 =	sadd.s32 s21, s2  }
0x9d: {  	[timem:s6], [sflag:s22] =	dma.local [hbm:s4], s20  }
0x9e: {  	_ =	swait.ge [sflag:s22], s20  }
0x9f: {  	s3 =	ssub.s32 $0x0, s20;
	[sflag:s22] =	ssyncset.done $0x0  }
0xa0: {  	[sflag:s22] =	ssyncadd.s32 s3;
	_ =	sdelay $0x1  }
0xa1: {  	s23 =	simm.s32 $0x1B8B  }
0xa2: {  	_ =	swait.ge [sflag:s23], $0x1  }
0xa3: {  	[sflag:s23] =	ssyncset.done $0x0  }
0xa4: {  	s25 =	simm.s32 $0x1B8E;
	s24 =	sld [smem:$0x3FFE];
	[sflag:s23] =	ssyncadd.s32 $0xFFFFFFFF  }
0xa5: {  	s26 =	simm.s32 $execute0_lowered;
	[smem:$0x3FD2] =	sst s25  }
0xa6: {  	s4 =	sshll.u32 s26, $0x1;
	_ =	strace $0x8000004C;
	[dreg:$0x1] =	wrdreg $0xFFFFFFFF  }
0xa7: {  	s28 =	simm.s32 $_size_execute0_lowered;
	s2 =	sadd.s32 s2, s4;
	[dreg:$0x0] =	wrdreg $0x0  }
0xa8: {  	s4 =	sshll.u32 s28, $0x1;
	[dreg:$0x2] =	wrdreg s2  }
0xa9: {  	[dreg:$0x3] =	wrdreg s4  }
0xaa: {  	[dreg:$0x4] =	wrdreg $0xC0  }
0xab: {  	_ =	task [dreg:s6], $0x5FFFF  }
0xac: {  	[dreg:$0x1] =	wrdreg $0xFFFFFFFF  }
0xad: {  	[dreg:$0x0] =	wrdreg $0x60  }
0xae: {  	[dreg:$0x2] =	wrdreg s24  }
0xaf: {  	[dreg:$0x3] =	wrdreg $0x6F400  }
0xb0: {  	[dreg:$0x4] =	wrdreg $0x9  }
0xb1: {  	_ =	task.clear_ibuf [dreg:s6], $0x5FFFF;
	_ =	strace $0x9000004C  }
0xb2: {  	s29 =	simm.s32 $0x9;
	_ =	strace $0x8000004E  }
0xb3: {  	_ =	swait.ge [sflag:s29], $0x1  }
0xb4: {  	[sflag:s29] =	ssyncadd.s32 $0xFFFFFFFF  }
0xb5: {  	_ =	strace $0x9000004E  }
0xb6: {  	_ =	sfence  }
0xb7: {  	s30 =	sld [smem:$0x0];
	_ =	sdelay $0x2  }
0xb8: {  	s31 =	sshll.u32 s1, $0xD;
	s1 =	sshrl.u32 s1, $0x2  }
0xb9: {  	s3 =	sand.u32 $0x4000, s31;
	s1 =	sadd.s32 s1, s30  }
0xba: {  	s0 =	sor.u32 s3, s0;
	s1 =	sshll.u32 s1, $0x11  }
0xbb: {  	s0 =	sor.u32 s1, s0  }
0xbc: {  	s0 =	sadd.s32 $0x8F2B, s0  }
0xbd: {  	[sflag:s0] =	ssyncadd.remote.s32 $0x1  }
0xbe: {  	_ =	sfence.sel $0xFFFF  }
0xbf: {  	[dreg:$0x0] =	wrdreg $0xFFFFFFFF;
	(pc) =	sbr.abs _section_cstart, $3  }
0xc0: {  	[dreg:$0x1] =	wrdreg $0xFFFFFFFF  }
0xc1: {  	_ =	task.clear_ibuf [dreg:s6], $0x2FFFF;
	_ =	strace $0x9FFFFFFF  }
0xc2: {  	(tm) =	ssettm $0x7FFFFFFF  }
0xc3: {  	_ =	shalt  }
tec
execute0_lowered:
.L_overlay_start_1:
0x0: {  	(tag) =	ssettag $0x1  }
0x1: {  	s6 =	rddreg [dreg:$0x0];
	s0 =	srdreg.scid  }
0x2: {  	s2 =	rddreg [dreg:$0x1];
	s1 =	stileid.u32  }
0x3: {  	s3 =	simm.s32 $0x0;
	s13 =	simm.s32 $0x2800;
	s14 =	simm.s32 $0x7D  }
0x4: {  	s15 =	simm.s32 $0x5000;
	s16 =	simm.s32 $0x1;
	s17 =	simm.s32 $0x0  }
0x5: {  	s5 =	sand.u32 $0x1, s0;
	s0 =	rddreg [dreg:$0x2];
	s7 =	smul.u32 $0x9E00, s1  }
0x6: {  	[smem:$0x7FF] =	sst s3;
	s31 =	sshll.u32 s1, $0x6;
	s4 =	sshll.u32 s5, $0x4  }
0x7: {  	s8 =	smul.u32 $0x9E000, s5;
	_ =	strace $0x8000004D;
	s10 =	ssub.s32 $0x2, s5  }
0x8: {  	s5 =	sadd.s32 $0x2AE00, s6;
	s4 =	sor.u32 s1, s4;
	s30 =	sshrl.u32 s10, $0x1  }
0x9: {  	s12 =	sadd.s32 s7, s2;
	s9 =	smul.u32 $0x500, s4;
	s8 =	sadd.s32 s7, s8  }
0xa: {  	s4 =	sadd.s32 $0x17400, s6;
	s10 =	ssub.s32 s10, s30;
	s8 =	sshrl.u32 s8, $0x3  }
0xb: {  	s10 =	smax.u32 s10, $0x1;
	s9 =	sadd.s32 s9, s6;
	s11 =	sadd.s32 s8, s6  }
0xc: {  	s6 =	sor.u32 $0x1C02, s31;
	s7 =	sadd.s32 $0xD400, s9;
	s8 =	sadd.s32 $0x3400, s9  }
0xd: {  	s9 =	sadd.s32 $0x2C200, s11;
	s11 =	sshrl.u32 s12, $0x3;
	s12 =	simm.s32 $0x2  }
.LBB2_1:
0xe: {  	[spmem:s11], [sflag:s6] =	dma.local [hbm:s5], $0x13C0  }
0xf: {  	_ =	swait.ge [sflag:s12], $0x13C0  }
0x10: {  	[sflag:s12] =	ssyncset.done $0x0  }
0x11: {  	[sflag:s12] =	ssyncadd.s32 $0xFFFFEC40  }
0x12: {  	[tilespmem:s3], [sflag:$0x2] =	stream.linear.gather [hbm4b:s7+s3], $0x2800, $0x38;
	[tilespmem:$0x10D40] =	vst v63  }
0x13: {  	_ =	swait.ge [sflag:s12], $0x2800  }
0x14: {  	[sflag:s12] =	ssyncset.done $0x0  }
0x15: {  	[sflag:s12] =	ssyncadd.s32 $0xFFFFD800  }
0x16: {  	[tilespmem:s13], [sflag:$0x2] =	stream.linear.gather [hbm4b:s8+s3], $0x2800, $0x38;
	[tilespmem:$0x10D40] =	vst v63  }
0x17: {  	_ =	swait.ge [sflag:s12], $0x2800  }
0x18: {  	[sflag:s12] =	ssyncset.done $0x0  }
0x19: {  	[sflag:s12] =	ssyncadd.s32 $0xFFFFD800  }
0x1a: {  	s18 =	simm.s32 $0x0;
	[bflag:$0x0] =	sbarrier.arrive $0xFFFF  }
0x1b: {  	[tilespmem:s15], [sflag:$0x1] =	stream.indirect.gather [hbm4b:s4+s14], $0x40, s18, s14, $0xb8;
	[tilespmem:$0x10D40] =	vst v63  }
0x1c: {  	_ =	swait.ge [sflag:s16], $0x1F40  }
0x1d: {  	[sflag:s16] =	ssyncset.done $0x0  }
0x1e: {  	s31 =	simm.s32 $0x2800;
	[sflag:s16] =	ssyncadd.s32 $0xFFFFE0C0  }
0x1f: {  	[spmem:s2] =	stream.indirect.scatter.add.f32 [tilespmem:s15], [sflag:$0x2], $0x40, s31, s14, $0xb8;
	[tilespmem:$0x10D40] =	vst v63  }
0x20: {  	_ =	swait.ge [sflag:s12], $0x1F40  }
0x21: {  	s19 =	simm.s32 $0x400;
	s18 =	simm.s32 $0x200;
	[sflag:s12] =	ssyncset.done $0x0  }
.LBB2_2:
0x22: {  	s20 =	sshra.s32 s18, $0x2  }
0x23: {  	[sflag:s12] =	ssyncadd.s32 $0xFFFFE0C0;
	s18 =	smov.u32 s19;
	s21 =	sadd.s32 $0x200, s19  }
0x24: {  	[tilespmem:s15], [sflag:$0x1] =	stream.indirect.gather [hbm4b:s4+s14], $0x40, s20, s14, $0xb8;
	[tilespmem:$0x10D40] =	vst v63  }
0x25: {  	p0 =	sne.s32 s19, $0x9E00;
	_ =	swait.ge [sflag:s16], $0x1F40  }
.Ltmp0:
0x26: {  	[sflag:s16] =	ssyncset.done $0x0;
	(pc) =	sbr.rel @p0 .LBB2_2-.Ltmp0, $4  }
0x27: {  	s19 =	sadd.s32 $0x2800, s20;
	[sflag:s16] =	ssyncadd.s32 $0xFFFFE0C0  }
0x28: {  	[spmem:s2] =	stream.indirect.scatter.add.f32 [tilespmem:s15], [sflag:$0x2], $0x40, s19, s14, $0xb8;
	[tilespmem:$0x10D40] =	vst v63  }
0x29: {  	_ =	swait.ge [sflag:s12], $0x1F40  }
0x2a: {  	s19 =	smov.u32 s21;
	[sflag:s12] =	ssyncset.done $0x0  }
0x2b: {  	s18 =	sshra.s32 s18, $0x2;
	[sflag:s12] =	ssyncadd.s32 $0xFFFFE0C0  }
0x2c: {  	[tilespmem:s15], [sflag:$0x1] =	stream.indirect.gather [hbm4b:s4+s14], $0x40, s18, s14, $0xb8;
	[tilespmem:$0x10D40] =	vst v63  }
0x2d: {  	_ =	swait.ge [sflag:s16], $0x1F40  }
0x2e: {  	[sflag:s16] =	ssyncset.done $0x0  }
0x2f: {  	s18 =	sadd.s32 $0x2800, s18;
	[sflag:s16] =	ssyncadd.s32 $0xFFFFE0C0  }
0x30: {  	[spmem:s2] =	stream.indirect.scatter.add.f32 [tilespmem:s15], [sflag:$0x2], $0x40, s18, s14, $0xb8;
	[tilespmem:$0x10D40] =	vst v63  }
0x31: {  	_ =	swait.ge [sflag:s12], $0x1F40  }
0x32: {  	s17 =	sadd.s32 $0x1, s17;
	[sflag:s12] =	ssyncset.done $0x0  }
0x33: {  	p0 =	sne.s32 s17, s10;
	[sflag:s12] =	ssyncadd.s32 $0xFFFFE0C0  }
.Ltmp1:
0x34: {  	[bflag:$0x0] =	sbarrier.arrive $0xFFFF;
	(pc) =	sbr.rel @p0 .LBB2_1-.Ltmp1, $4  }
0x35: {  	[hbm:s9], [sflag:s6] =	dma.local [spmem:s11], $0x13C0  }
0x36: {  	_ =	swait.ge [sflag:s12], $0x13C0  }
0x37: {  	[sflag:s12] =	ssyncset.done $0x0  }
0x38: {  	[sflag:s12] =	ssyncadd.s32 $0xFFFFEC40  }
0x39: {  	_ =	sfence.sel $0x180000  }
0x3a: {  	[bflag:$0x0] =	sbarrier.arrive $0xFFFF  }
0x3b: {  	p0 =	sne.s32 s1, $0x0;
	_ =	strace $0x9000004D  }
0x3c: {  	s0 =	sadd.s32 @!p0 $0x100000, s0;
	[bflag:$0x2] =	sbarrier.arrive $0xFFFF  }
0x3d: {  	[sflag:s0] =	ssyncadd.tile.s32 @!p0 $0x1;
	_ =	shalt  }
.Lfunc_end2:
_tile_overlayer_lowered:
.L_overlay_start_2:
0x3e: {  	(tag) =	ssettag $0x2  }
0x3f: {  	s0 =	rddreg [dreg:$0x0];
	s2 =	stileid.u32  }
0x40: {  	s1 =	rddreg [dreg:$0x1];
	p0 =	sne.s32 s2, $0x0  }
0x41: {  	s3 =	rddreg [dreg:$0x2];
	[bflag:$0x3] =	sbarrier.arrive $0xFFFF;
	s2 =	simm.s32 @!p0 $0x1C02  }
0x42: {  	[timem:s3], [sflag:s2] =	dma.local @!p0 [hbm:s0], s1  }
0x43: {  	s0 =	simm.s32 @!p0 $0x2  }
0x44: {  	_ =	swait.ge @!p0 [sflag:s0], s1  }
0x45: {  	s1 =	ssub.s32 @!p0 $0x0, s1;
	[sflag:s0] =	ssyncset.done @!p0 $0x0  }
0x46: {  	[sflag:s0] =	ssyncadd.s32 @!p0 s1  }
0x47: {  	[bflag:$0x3] =	sbarrier.arrive $0xFFFF  }
0x48: {  	_ =	shalt  }

// kernel: kernel.8.cloned.1.call-start
scs
__scs_entry_jumppad:
0x0: {  	(pc) =	sbr.rel $0x88, $3  }
0x1: {  	(tag) =	ssettag $0x0;
	lr =	simm.s32 $0x1  }
0x2: {  	[smem:$0x3F88] =	sst lr;
	_ =	strace $0xD0000000  }
0x3: {  	_ = 	snop  }
0x4: {  	_ = 	snop  }
0x5: {  	_ = 	snop  }
0x6: {  	_ = 	snop  }
0x7: {  	_ = 	snop  }
__scs_overlays_trampoline_lowered:
0x8: {  	[smem:$0x3F97] =	sst s0  }
0x9: {  	[smem:$0x3F98] =	sst s1  }
0xa: {  	[smem:$0x3F99] =	sst s2  }
0xb: {  	[smem:$0x3F9A] =	sst s3  }
0xc: {  	[smem:$0x3F9B] =	sst s4  }
0xd: {  	[smem:$0x3F9C] =	sst s5  }
0xe: {  	[smem:$0x3F9D] =	sst s6  }
0xf: {  	[smem:$0x3F9E] =	sst s7  }
0x10: {  	[smem:$0x3F9F] =	sst s8  }
0x11: {  	[smem:$0x3FA0] =	sst s9;
	s0 =	simm.s32 @!p0 $0x0  }
0x12: {  	s1 =	sld [smem:$0x3F86];
	s0 =	simm.s32 @p0 $0x1  }
0x13: {  	[smem:$0x3FA1] =	sst s0;
	s0 =	simm.s32 @!p1 $0x0  }
0x14: {  	s2 =	sld [smem:$0x3F85];
	s0 =	simm.s32 @p1 $0x1  }
0x15: {  	[smem:$0x3FA2] =	sst s0;
	s0 =	simm.s32 @!p2 $0x0  }
0x16: {  	s3 =	sld [smem:$0x3FDB];
	s0 =	simm.s32 @p2 $0x1  }
0x17: {  	s4 =	simm.s32 $0x1BF5;
	[smem:$0x3FA4] =	sst s0  }
0x18: {  	s0 =	sld [smem:$0x3F87];
	_ =	swait.ge [sflag:s4], $0x0  }
0x19: {  	s7 =	sld [smem:$0x3F88]  }
0x1a: {  	s8 =	sadd.s32 $0xFFFFE003, lr  }
0x1b: {  	s9 =	sadd.s32 $0xFFFFFEF7, lr;
	s5 =	simm.s32 $0xFFFFFFFF;
	p2 =	slt.u32 s8, $0xFFFFF086  }
0x1c: {  	p1 =	slt.u32 s9, $0xF7A;
	s5 =	simm.s32 @!p2 $0x0  }
0x1d: {  	s5 =	simm.s32 @p1 $0x1;
	p0 =	seq.s32 s7, s2  }
0x1e: {  	s7 =	smul.u32 @!p0 $0xF7A, s2;
	p2 =	seq.s32 @!p0 s5, $0x0  }
0x1f: {  	s9 =	smul.u32 $0xF7A, s1;
	s8 =	simm.s32 @!p0 $0x1BF5;
	p2 =	por !p2, p0  }
0x20: {  	[sflag:s8] =	ssyncset.s32 @!p0 $0xFFFFF086;
	s6 =	sadd.s32 @!p0 s3, s7;
	s7 =	simm.s32 @!p0 $0x108  }
0x21: {  	s3 =	sadd.s32 s3, s9;
	s6 =	sadd.s32 @!p0 $0x88, s6;
	s7 =	simm.s32 @p2 $0x1082  }
0x22: {  	[simem:s7], [sflag:s8] =	dma.local @!p0 [hbm:s6], $0xF7A  }
0x23: {  	s9 =	sor.u32 $0xD0000000, s2;
	s6 =	simm.s32 $0x108;
	_ =	swait.ge @!p0 [sflag:s8], $0x0  }
0x24: {  	s3 =	sadd.s32 $0x88, s3;
	s6 =	simm.s32 @!p1 $0x1082;
	[sflag:s4] =	ssyncset.s32 $0xFFFFF086  }
0x25: {  	[simem:s6], [sflag:s4] =	dma.local [hbm:s3], $0xF7A  }
0x26: {  	[smem:$0x3F88] =	sst s1;
	(tag) =	ssettag s2;
	_ =	strace s9  }
0x27: {  	s1 =	sld [smem:$0x3F98]  }
0x28: {  	s2 =	sld [smem:$0x3F99]  }
0x29: {  	s4 =	sld [smem:$0x3F9B]  }
0x2a: {  	p0 =	seq.s32 s5, $0x0;
	s5 =	sld [smem:$0x3F9C]  }
0x2b: {  	s6 =	sld [smem:$0x3F9D]  }
0x2c: {  	s7 =	sld [smem:$0x3F9E]  }
0x2d: {  	s3 =	simm.s32 $0x108;
	s8 =	sld [smem:$0x3F9F]  }
0x2e: {  	s3 =	simm.s32 @!p0 $0x1082;
	s9 =	sld [smem:$0x3FA0]  }
0x2f: {  	lr =	sadd.s32 s0, s3;
	s0 =	sld [smem:$0x3F97]  }
0x30: {  	s3 =	sld [smem:$0x3F9A]  }
0x31: {  	[smem:$0x3FA3] =	sst s10  }
0x32: {  	s10 =	sld [smem:$0x3FA1];
	_ =	sdelay $0x3  }
0x33: {  	p0 =	seq.s32 s10, $0x1;
	s10 =	sld [smem:$0x3FA3];
	_ =	sdelay $0x3  }
0x34: {  	[smem:$0x3FA3] =	sst s10  }
0x35: {  	s10 =	sld [smem:$0x3FA2];
	_ =	sdelay $0x3  }
0x36: {  	p1 =	seq.s32 s10, $0x1;
	s10 =	sld [smem:$0x3FA3];
	_ =	sdelay $0x3  }
0x37: {  	[smem:$0x3FA3] =	sst s10  }
0x38: {  	s10 =	sld [smem:$0x3FA4]  }
0x39: {  	_ = 	snop;
	(pc) =	sbr.ind lr, $3  }
0x3a: {  	_ = 	snop  }
0x3b: {  	_ = 	snop  }
0x3c: {  	p2 =	seq.s32 s10, $0x1;
	s10 =	sld [smem:$0x3FA3]  }
0x3d: {  	_ =	shalt  }
0x3e: {  	_ =	shalt  }
0x3f: {  	_ =	shalt  }
0x40: {  	_ =	shalt  }
0x41: {  	_ =	shalt  }
0x42: {  	_ =	shalt  }
0x43: {  	_ =	shalt  }
0x44: {  	_ =	shalt  }
0x45: {  	_ =	shalt  }
0x46: {  	_ =	shalt  }
0x47: {  	_ =	shalt  }
0x48: {  	_ =	shalt  }
0x49: {  	_ =	shalt  }
0x4a: {  	_ =	shalt  }
0x4b: {  	_ =	shalt  }
0x4c: {  	_ =	shalt  }
0x4d: {  	_ =	shalt  }
0x4e: {  	_ =	shalt  }
0x4f: {  	_ =	shalt  }
0x50: {  	_ =	shalt  }
0x51: {  	_ =	shalt  }
0x52: {  	_ =	shalt  }
0x53: {  	_ =	shalt  }
0x54: {  	_ =	shalt  }
0x55: {  	_ =	shalt  }
0x56: {  	_ =	shalt  }
0x57: {  	_ =	shalt  }
0x58: {  	_ =	shalt  }
0x59: {  	_ =	shalt  }
0x5a: {  	_ =	shalt  }
0x5b: {  	_ =	shalt  }
0x5c: {  	_ =	shalt  }
0x5d: {  	_ =	shalt  }
0x5e: {  	_ =	shalt  }
0x5f: {  	_ =	shalt  }
0x60: {  	_ =	shalt  }
0x61: {  	_ =	shalt  }
0x62: {  	_ =	shalt  }
0x63: {  	_ =	shalt  }
0x64: {  	_ =	shalt  }
0x65: {  	_ =	shalt  }
0x66: {  	_ =	shalt  }
0x67: {  	_ =	shalt  }
0x68: {  	_ =	shalt  }
0x69: {  	_ =	shalt  }
0x6a: {  	_ =	shalt  }
0x6b: {  	_ =	shalt  }
0x6c: {  	_ =	shalt  }
0x6d: {  	_ =	shalt  }
0x6e: {  	_ =	shalt  }
0x6f: {  	_ =	shalt  }
0x70: {  	_ =	shalt  }
0x71: {  	_ =	shalt  }
0x72: {  	_ =	shalt  }
0x73: {  	_ =	shalt  }
0x74: {  	_ =	shalt  }
0x75: {  	_ =	shalt  }
0x76: {  	_ =	shalt  }
0x77: {  	_ =	shalt  }
0x78: {  	_ =	shalt  }
0x79: {  	_ =	shalt  }
0x7a: {  	_ =	shalt  }
0x7b: {  	_ =	shalt  }
0x7c: {  	_ =	shalt  }
0x7d: {  	_ =	shalt  }
0x7e: {  	_ =	shalt  }
0x7f: {  	_ =	shalt  }
0x80: {  	_ =	shalt  }
0x81: {  	_ =	shalt  }
0x82: {  	_ =	shalt  }
0x83: {  	_ =	shalt  }
0x84: {  	_ =	shalt  }
0x85: {  	_ =	shalt  }
0x86: {  	_ =	shalt  }
0x87: {  	_ =	shalt  }
.Lfunc_end0:
.L_simem_size_0:
called_computation_lowered:
.L_overlay_start_0:
0x88: {  	s2 =	sld [smem:$0x3FD9]  }
0x89: {  	s3 =	sld [smem:$0x3FFE];
	_ =	sdelay $0x1  }
0x8a: {  	s1 =	srdreg.scid  }
0x8b: {  	s0 =	sand.u32 $0x1, s1  }
0x8c: {  	s17 =	sshll.u32 s0, $0xA;
	s2 =	sadd.s32 s3, s2  }
0x8d: {  	s2 =	sadd.s32 s2, s17  }
0x8e: {  	[smem:$0x3FAF] =	sst s2  }
0x8f: {  	_ = 	snop  }
0x90: {  	s2 =	sld [smem:$0x3FC9];
	(tm) =	ssettm $0x1  }
0x91: {  	s18 =	sld [smem:$0x3FFB];
	_ =	sdelay $0x3  }
0x92: {  	_ =	strace s18  }
0x93: {  	s3 =	sld [smem:$0x3FFC];
	_ =	sdelay $0x3  }
0x94: {  	_ =	strace s3  }
0x95: {  	s3 =	sld [smem:$0x3FFD];
	_ =	sdelay $0x3  }
0x96: {  	_ =	strace s3  }
0x97: {  	_ =	strace $0x8FFFFFFF  }
0x98: {  	s19 =	sld [smem:$0x3FDB];
	_ =	sdelay $0x1  }
0x99: {  	s4 =	simm.s32 $_scs_section_size  }
0x9a: {  	s5 =	simm.s32 $_size__tile_overlayer_lowered;
	s6 =	simm.s32 $_tile_overlayer_lowered  }
0x9b: {  	s22 =	simm.s32 $0x1BFF;
	s21 =	sshll.u32 s6, $0x1;
	s3 =	sadd.s32 s4, s19  }
0x9c: {  	s7 =	simm.s32 $0x0;
	s20 =	sshll.u32 s5, $0x1;
	s5 =	sadd.s32 s21, s3  }
0x9d: {  	[timem:s7], [sflag:s22] =	dma.local [hbm:s5], s20  }
0x9e: {  	_ =	swait.ge [sflag:s22], s20  }
0x9f: {  	s4 =	ssub.s32 $0x0, s20;
	[sflag:s22] =	ssyncset.done $0x0  }
0xa0: {  	[sflag:s22] =	ssyncadd.s32 s4;
	_ =	sdelay $0x1  }
0xa1: {  	s23 =	simm.s32 $0x1B8B  }
0xa2: {  	_ =	swait.ge [sflag:s23], $0x1  }
0xa3: {  	[sflag:s23] =	ssyncset.done $0x0  }
0xa4: {  	s25 =	simm.s32 $0x1B8E;
	s24 =	sld [smem:$0x3FFE];
	[sflag:s23] =	ssyncadd.s32 $0xFFFFFFFF  }
0xa5: {  	s26 =	simm.s32 $execute0_lowered;
	[smem:$0x3FD2] =	sst s25  }
0xa6: {  	s5 =	sshll.u32 s26, $0x1;
	_ =	strace $0x80000046;
	[dreg:$0x1] =	wrdreg $0xFFFFFFFF  }
0xa7: {  	s28 =	simm.s32 $_size_execute0_lowered;
	s3 =	sadd.s32 s3, s5;
	[dreg:$0x0] =	wrdreg $0x0  }
0xa8: {  	s5 =	sshll.u32 s28, $0x1;
	[dreg:$0x2] =	wrdreg s3  }
0xa9: {  	[dreg:$0x3] =	wrdreg s5  }
0xaa: {  	[dreg:$0x4] =	wrdreg $0xC0  }
0xab: {  	_ =	task [dreg:s7], $0x5FFFF  }
0xac: {  	[dreg:$0x1] =	wrdreg $0xFFFFFFFF  }
0xad: {  	[dreg:$0x0] =	wrdreg $0x60  }
0xae: {  	[dreg:$0x2] =	wrdreg s2  }
0xaf: {  	[dreg:$0x3] =	wrdreg s24  }
0xb0: {  	[dreg:$0x4] =	wrdreg $0x8E800  }
0xb1: {  	[dreg:$0x5] =	wrdreg $0x9  }
0xb2: {  	_ =	task.clear_ibuf [dreg:s7], $0x6FFFF;
	_ =	strace $0x90000046  }
0xb3: {  	s29 =	simm.s32 $0x9;
	_ =	strace $0x80000048  }
0xb4: {  	_ =	swait.ge [sflag:s29], $0x1  }
0xb5: {  	[sflag:s29] =	ssyncadd.s32 $0xFFFFFFFF  }
0xb6: {  	_ =	strace $0x90000048  }
0xb7: {  	_ =	sfence  }
0xb8: {  	s30 =	sld [smem:$0x0];
	_ =	sdelay $0x2  }
0xb9: {  	s31 =	sshll.u32 s1, $0xD;
	s1 =	sshrl.u32 s1, $0x2  }
0xba: {  	s3 =	sand.u32 $0x4000, s31;
	s1 =	sadd.s32 s1, s30  }
0xbb: {  	s0 =	sor.u32 s3, s0;
	s1 =	sshll.u32 s1, $0x11  }
0xbc: {  	s0 =	sor.u32 s1, s0  }
0xbd: {  	s0 =	sadd.s32 $0x8F2B, s0  }
0xbe: {  	[sflag:s0] =	ssyncadd.remote.s32 $0x1  }
0xbf: {  	_ =	sfence.sel $0xFFFF  }
0xc0: {  	[dreg:$0x0] =	wrdreg $0xFFFFFFFF;
	(pc) =	sbr.abs _section_cstart, $3  }
0xc1: {  	[dreg:$0x1] =	wrdreg $0xFFFFFFFF  }
0xc2: {  	_ =	task.clear_ibuf [dreg:s7], $0x2FFFF;
	_ =	strace $0x9FFFFFFF  }
0xc3: {  	(tm) =	ssettm $0x7FFFFFFF  }
tec
execute0_lowered:
.L_overlay_start_1:
0x0: {  	(tag) =	ssettag $0x1  }
0x1: {  	s2 =	rddreg [dreg:$0x0]  }
0x2: {  	s6 =	rddreg [dreg:$0x1]  }
0x3: {  	s0 =	srdreg.scid;
	s3 =	rddreg [dreg:$0x2]  }
0x4: {  	s1 =	stileid.u32;
	s4 =	simm.s32 $0x0;
	s14 =	simm.s32 $0x7D  }
0x5: {  	s15 =	simm.s32 $0x5000;
	s16 =	simm.s32 $0x1;
	s17 =	simm.s32 $0x0  }
0x6: {  	s5 =	sand.u32 $0x1, s0;
	s0 =	rddreg [dreg:$0x3];
	s8 =	smul.u32 $0x13C00, s1  }
0x7: {  	[smem:$0x7FF] =	sst s4;
	s31 =	sshll.u32 s1, $0x6;
	s7 =	sshll.u32 s5, $0x4  }
0x8: {  	s9 =	smul.u32 $0x13C000, s5;
	_ =	strace $0x80000047;
	s7 =	sor.u32 s1, s7  }
0x9: {  	s29 =	ssub.s32 $0x2, s5;
	s5 =	sadd.s32 $0x17400, s6;
	s7 =	smul.u32 $0x500, s7  }
0xa: {  	s30 =	sshrl.u32 s29, $0x1;
	s13 =	sadd.s32 s8, s3;
	s9 =	sadd.s32 s8, s9  }
0xb: {  	s12 =	ssub.s32 s29, s30;
	s28 =	sshrl.u32 s9, $0x3;
	s10 =	sadd.s32 s7, s6  }
0xc: {  	s11 =	sadd.s32 s28, s6;
	s6 =	sor.u32 $0x1C02, s31;
	s7 =	sadd.s32 $0xD400, s10  }
0xd: {  	s8 =	sadd.s32 $0x3400, s10;
	s9 =	sadd.s32 $0x19C00, s11;
	s10 =	smax.u32 s12, $0x1  }
0xe: {  	s11 =	sshrl.u32 s13, $0x3;
	s12 =	simm.s32 $0x2;
	s13 =	simm.s32 $0x2800  }
.LBB2_1:
0xf: {  	[spmem:s11], [sflag:s6] =	dma.local [hbm:s5], $0x2780  }
0x10: {  	_ =	swait.ge [sflag:s12], $0x2780  }
0x11: {  	[sflag:s12] =	ssyncset.done $0x0  }
0x12: {  	[sflag:s12] =	ssyncadd.s32 $0xFFFFD880  }
0x13: {  	[tilespmem:s4], [sflag:$0x2] =	stream.linear.gather [hbm4b:s7+s4], $0x2800, $0x38;
	[tilespmem:$0x1CA80] =	vst v63  }
0x14: {  	_ =	swait.ge [sflag:s12], $0x2800  }
0x15: {  	[sflag:s12] =	ssyncset.done $0x0  }
0x16: {  	[sflag:s12] =	ssyncadd.s32 $0xFFFFD800  }
0x17: {  	[tilespmem:s13], [sflag:$0x2] =	stream.linear.gather [hbm4b:s8+s4], $0x2800, $0x38;
	[tilespmem:$0x1CA80] =	vst v63  }
0x18: {  	_ =	swait.ge [sflag:s12], $0x2800  }
0x19: {  	[sflag:s12] =	ssyncset.done $0x0  }
0x1a: {  	[sflag:s12] =	ssyncadd.s32 $0xFFFFD800  }
0x1b: {  	s18 =	simm.s32 $0x0;
	[bflag:$0x0] =	sbarrier.arrive $0xFFFF  }
0x1c: {  	[tilespmem:s15], [sflag:$0x1] =	stream.indirect.gather [hbm4b:s2+s14], $0x80, s18, s14, $0xb8;
	[tilespmem:$0x1CA80] =	vst v63  }
0x1d: {  	_ =	swait.ge [sflag:s16], $0x3E80  }
0x1e: {  	[sflag:s16] =	ssyncset.done $0x0  }
0x1f: {  	s31 =	simm.s32 $0x2800;
	[sflag:s16] =	ssyncadd.s32 $0xFFFFC180  }
0x20: {  	[spmem:s3] =	stream.indirect.scatter.add.f32 [tilespmem:s15], [sflag:$0x2], $0x80, s31, s14, $0xb8;
	[tilespmem:$0x1CA80] =	vst v63  }
0x21: {  	_ =	swait.ge [sflag:s12], $0x3E80  }
0x22: {  	s19 =	simm.s32 $0x400;
	s18 =	simm.s32 $0x200;
	[sflag:s12] =	ssyncset.done $0x0  }
.LBB2_2:
0x23: {  	s20 =	sshra.s32 s18, $0x2  }
0x24: {  	[sflag:s12] =	ssyncadd.s32 $0xFFFFC180;
	s18 =	smov.u32 s19;
	s21 =	sadd.s32 $0x200, s19  }
0x25: {  	[tilespmem:s15], [sflag:$0x1] =	stream.indirect.gather [hbm4b:s2+s14], $0x80, s20, s14, $0xb8;
	[tilespmem:$0x1CA80] =	vst v63  }
0x26: {  	p0 =	sne.s32 s19, $0x9E00;
	_ =	swait.ge [sflag:s16], $0x3E80  }
.Ltmp0:
0x27: {  	[sflag:s16] =	ssyncset.done $0x0;
	(pc) =	sbr.rel @p0 .LBB2_2-.Ltmp0, $4  }
0x28: {  	s19 =	sadd.s32 $0x2800, s20;
	[sflag:s16] =	ssyncadd.s32 $0xFFFFC180  }
0x29: {  	[spmem:s3] =	stream.indirect.scatter.add.f32 [tilespmem:s15], [sflag:$0x2], $0x80, s19, s14, $0xb8;
	[tilespmem:$0x1CA80] =	vst v63  }
0x2a: {  	_ =	swait.ge [sflag:s12], $0x3E80  }
0x2b: {  	s19 =	smov.u32 s21;
	[sflag:s12] =	ssyncset.done $0x0  }
0x2c: {  	s18 =	sshra.s32 s18, $0x2;
	[sflag:s12] =	ssyncadd.s32 $0xFFFFC180  }
0x2d: {  	[tilespmem:s15], [sflag:$0x1] =	stream.indirect.gather [hbm4b:s2+s14], $0x80, s18, s14, $0xb8;
	[tilespmem:$0x1CA80] =	vst v63  }
0x2e: {  	_ =	swait.ge [sflag:s16], $0x3E80  }
0x2f: {  	[sflag:s16] =	ssyncset.done $0x0  }
0x30: {  	s18 =	sadd.s32 $0x2800, s18;
	[sflag:s16] =	ssyncadd.s32 $0xFFFFC180  }
0x31: {  	[spmem:s3] =	stream.indirect.scatter.add.f32 [tilespmem:s15], [sflag:$0x2], $0x80, s18, s14, $0xb8;
	[tilespmem:$0x1CA80] =	vst v63  }
0x32: {  	_ =	swait.ge [sflag:s12], $0x3E80  }
0x33: {  	s17 =	sadd.s32 $0x1, s17;
	[sflag:s12] =	ssyncset.done $0x0  }
0x34: {  	p0 =	sne.s32 s17, s10;
	[sflag:s12] =	ssyncadd.s32 $0xFFFFC180  }
.Ltmp1:
0x35: {  	[bflag:$0x0] =	sbarrier.arrive $0xFFFF;
	(pc) =	sbr.rel @p0 .LBB2_1-.Ltmp1, $4  }
0x36: {  	[hbm:s9], [sflag:s6] =	dma.local [spmem:s11], $0x2780  }
0x37: {  	_ =	swait.ge [sflag:s12], $0x2780  }
0x38: {  	[sflag:s12] =	ssyncset.done $0x0  }
0x39: {  	[sflag:s12] =	ssyncadd.s32 $0xFFFFD880  }
0x3a: {  	_ =	sfence.sel $0x180000  }
0x3b: {  	[bflag:$0x0] =	sbarrier.arrive $0xFFFF  }
0x3c: {  	p0 =	sne.s32 s1, $0x0;
	_ =	strace $0x90000047  }
0x3d: {  	s0 =	sadd.s32 @!p0 $0x100000, s0;
	[bflag:$0x2] =	sbarrier.arrive $0xFFFF  }
0x3e: {  	[sflag:s0] =	ssyncadd.tile.s32 @!p0 $0x1;
	_ =	shalt  }
.Lfunc_end2:
_tile_overlayer_lowered:
.L_overlay_start_2:
0x3f: {  	(tag) =	ssettag $0x2  }
0x40: {  	s0 =	rddreg [dreg:$0x0];
	s2 =	stileid.u32  }
0x41: {  	s1 =	rddreg [dreg:$0x1];
	p0 =	sne.s32 s2, $0x0  }
0x42: {  	s3 =	rddreg [dreg:$0x2];
	[bflag:$0x3] =	sbarrier.arrive $0xFFFF;
	s2 =	simm.s32 @!p0 $0x1C02  }
0x43: {  	[timem:s3], [sflag:s2] =	dma.local @!p0 [hbm:s0], s1  }
0x44: {  	s0 =	simm.s32 @!p0 $0x2  }
0x45: {  	_ =	swait.ge @!p0 [sflag:s0], s1  }
0x46: {  	s1 =	ssub.s32 @!p0 $0x0, s1;
	[sflag:s0] =	ssyncset.done @!p0 $0x0  }
0x47: {  	[sflag:s0] =	ssyncadd.s32 @!p0 s1  }
0x48: {  	[bflag:$0x3] =	sbarrier.arrive $0xFFFF  }
0x49: {  	_ =	shalt  }

</sc_bundles>
